<compile_context>
chip_gen: v7x
topology: tpu7x:2x2x1
jax: 0.10.2.dev20260603
libtpu: 0.0.44.dev20260713+nightly
codegen_flags: <defaults>
</compile_context>

<pallas_src>
import functools

import jax
import jax.numpy as jnp
from jax import lax
from jax.experimental import pallas as pl
from jax.experimental.pallas import tpu as pltpu
from jax.experimental.pallas import tpu_sc as plsc

_N, _M, _T, _NUM_REL, _D = 16, 256, 131072, 2000, 256
_P = _N * _M
_RPAD = 2048
_NW = 32
_CHUNK = _T // _NW
_NBLK = _CHUNK // 16
_GCH = 128
_SQD = 16.0


def _gram_body(a_ref, b_ref, o_ref):
    res = lax.dot_general(
        a_ref[...], b_ref[...], (((1,), (1,)), ((), ())),
        preferred_element_type=jnp.float32) * (1.0 / _SQD)
    for ct in range(_RPAD // 128):
        o_ref[:, ct] = res[:, ct * 128:(ct + 1) * 128].reshape(-1, 8, 128)


def _gram(r):
    blk = 256
    return pl.pallas_call(
        _gram_body,
        grid=(_RPAD // blk,),
        in_specs=[
            pl.BlockSpec((blk, _D), lambda i: (i, 0)),
            pl.BlockSpec((_RPAD, _D), lambda i: (0, 0)),
        ],
        out_specs=pl.BlockSpec((blk // 8, _RPAD // 128, 8, 128),
                               lambda i: (i, 0, 0, 0)),
        out_shape=jax.ShapeDtypeStruct(
            (_RPAD // 8, _RPAD // 128, 8, 128), jnp.float32),
    )(r, r)


def _combine_body(p_ref, o_ref):
    p = p_ref[...].reshape(_NW, 2, _P // 128, 128)
    den = jnp.sum(p[:, 0], axis=0)
    num = jnp.sum(p[:, 1], axis=0)
    o_ref[...] = _SQD * num / (den + 1e-9)


def _combine(partials):
    return pl.pallas_call(
        _combine_body,
        in_specs=[pl.BlockSpec((_NW * 2 * (_P // 128), 128),
                               lambda: (0, 0))],
        out_specs=pl.BlockSpec((_P // 128, 128), lambda: (0, 0)),
        out_shape=jax.ShapeDtypeStruct((_P // 128, 128), jnp.float32),
    )(partials.reshape(_NW * 2 * (_P // 128), 128))


def _last_lane(x):
    return lax.squeeze(lax.slice(x, (15,), (16,)), dimensions=(0,))


def _sc_body(g_ref, nbr_ref, seg_ref, cand_ref, out_ref,
             segbuf, nbr_v, idx_v, logit_v, cand_v, a_den, a_num,
             ce_buf, ex_buf, cn_buf, exn_buf, offs_e, offs_n, sem):
    wid = lax.axis_index("s") * 2 + lax.axis_index("c")
    base = wid * _CHUNK

    in_cp = [
        pltpu.async_copy(seg_ref.at[pl.ds(base, _CHUNK)],
                         segbuf.at[pl.ds(16, _CHUNK)], sem),
        pltpu.async_copy(nbr_ref.at[pl.ds(base, _CHUNK)], nbr_v, sem),
        pltpu.async_copy(cand_ref, cand_v, sem),
    ]
    for cp in in_cp:
        cp.wait()
    segbuf[pl.ds(0, 16)] = jnp.full((16,), -1, jnp.int32)
    segbuf[pl.ds(16 + _CHUNK, 16)] = jnp.full((16,), -2, jnp.int32)

    @plsc.parallel_loop(0, _NBLK, unroll=4)
    def _idx_loop(i):
        s = segbuf[pl.ds(16 + i * 16, 16)]
        nb = nbr_v[pl.ds(i * 16, 16)]
        cd = plsc.load_gather(cand_v, [s])
        idx_v[pl.ds(i * 16, 16)] = (
            ((nb >> 3) << 14) + ((cd >> 7) << 10) + ((nb & 7) << 7)
            + (cd & 127))

    copies = []
    for j in range(_CHUNK // _GCH):
        copies.append(pltpu.async_copy(
            g_ref.at[idx_v.at[pl.ds(j * _GCH, _GCH)]],
            logit_v.at[pl.ds(j * _GCH, _GCH)], sem))

    zeros = jnp.zeros((16,), jnp.float32)

    @plsc.parallel_loop(0, _NBLK, unroll=8)
    def _zero_loop(i):
        a_den[pl.ds(i * 16, 16)] = zeros
        a_num[pl.ds(i * 16, 16)] = zeros

    for cp in copies:
        cp.wait()

    @plsc.parallel_loop(0, _NBLK, unroll=4)
    def _cum_loop(i):
        l = logit_v[pl.ds(i * 16, 16)]
        e = jnp.exp(l)
        en = e * l
        ce = plsc.cumsum(e)
        cn = plsc.cumsum(en)
        ce_buf[pl.ds(i * 16, 16)] = ce
        ex_buf[pl.ds(i * 16, 16)] = ce - e
        cn_buf[pl.ds(i * 16, 16)] = cn
        exn_buf[pl.ds(i * 16, 16)] = cn - en

    it = lax.iota(jnp.int32, 16)

    def bstep(k, carry):
        c_e, c_n = carry
        ids = it * 16 + (15 + 256 * k)
        ve = plsc.load_gather(ce_buf, [ids])
        vn = plsc.load_gather(cn_buf, [ids])
        ie = plsc.cumsum(ve) + c_e
        inn = plsc.cumsum(vn) + c_n
        offs_e[pl.ds(k * 16, 16)] = ie - ve
        offs_n[pl.ds(k * 16, 16)] = inn - vn
        return (_last_lane(ie), _last_lane(inn))

    lax.fori_loop(0, _NBLK // 16, bstep,
                  (jnp.zeros((), jnp.float32), jnp.zeros((), jnp.float32)))

    @plsc.parallel_loop(0, _NBLK, unroll=4)
    def _scatter_loop(i):
        s = segbuf[pl.ds(16 + i * 16, 16)]
        sp = plsc.load_gather(segbuf, [it + (15 + i * 16)])
        sn = plsc.load_gather(segbuf, [it + (17 + i * 16)])
        bi = jnp.full((16,), 0, jnp.int32) + i
        o_e = plsc.load_gather(offs_e, [bi])
        o_n = plsc.load_gather(offs_n, [bi])
        ce = ce_buf[pl.ds(i * 16, 16)] + o_e
        exl = ex_buf[pl.ds(i * 16, 16)] + o_e
        cn = cn_buf[pl.ds(i * 16, 16)] + o_n
        exn = exn_buf[pl.ds(i * 16, 16)] + o_n
        start = s != sp
        end = s != sn
        vd = jnp.where(end, ce, 0.0) - jnp.where(start, exl, 0.0)
        vn = jnp.where(end, cn, 0.0) - jnp.where(start, exn, 0.0)
        m = start | end
        plsc.addupdate_scatter(a_den, [s], vd, mask=m)
        plsc.addupdate_scatter(a_num, [s], vn, mask=m)

    pltpu.sync_copy(a_den, out_ref.at[pl.ds(wid * 2 * _P, _P)])
    pltpu.sync_copy(a_num, out_ref.at[pl.ds(wid * 2 * _P + _P, _P)])


def _sc_partials(g_flat, nbr, seg, cand_idx):
    mesh = plsc.VectorSubcoreMesh(core_axis_name="c", subcore_axis_name="s")
    f = functools.partial(
        pl.kernel, mesh=mesh,
        compiler_params=pltpu.CompilerParams(needs_layout_passes=False),
        out_type=jax.ShapeDtypeStruct((_NW * 2 * _P,), jnp.float32),
        scratch_types=[
            pltpu.VMEM((_CHUNK + 32,), jnp.int32),
            pltpu.VMEM((_CHUNK,), jnp.int32),
            pltpu.VMEM((_CHUNK,), jnp.int32),
            pltpu.VMEM((_CHUNK,), jnp.float32),
            pltpu.VMEM((_P,), jnp.int32),
            pltpu.VMEM((_P,), jnp.float32),
            pltpu.VMEM((_P,), jnp.float32),
            pltpu.VMEM((_CHUNK,), jnp.float32),
            pltpu.VMEM((_CHUNK,), jnp.float32),
            pltpu.VMEM((_CHUNK,), jnp.float32),
            pltpu.VMEM((_CHUNK,), jnp.float32),
            pltpu.VMEM((_NBLK,), jnp.float32),
            pltpu.VMEM((_NBLK,), jnp.float32),
            pltpu.SemaphoreType.DMA,
        ],
    )(_sc_body)
    return f(g_flat, nbr, seg, cand_idx)


@jax.jit
def _impl(triples, neighbor_indices, segment_ids, relation_table):
    cand_idx = triples[:, :, 2].reshape(-1).astype(jnp.int32)
    nbr = neighbor_indices.astype(jnp.int32)
    seg = segment_ids.astype(jnp.int32)
    g_flat = _gram(relation_table).reshape(-1)
    partials = _sc_partials(g_flat, nbr, seg, cand_idx)
    return _combine(partials).reshape(_N, _M)


def kernel(triples, neighbor_indices, segment_ids, relation_table):
    return _impl(triples, neighbor_indices, segment_ids, relation_table)

# --- scband reference (transcript-rebuilt; emitter-appended) ---
"""Pipeline reference for scband-entity-pair-attention-neighbours-relation-embedding-45397804318893 (READ-ONLY COPY).

The authoritative reference and input builder live on the scoring server;
editing this copy changes nothing except your own understanding.
"""

import jax, jax.numpy as jnp
import numpy as np

N, M, T, NUM_REL, D = 16, 256, 131072, 2000, 256
P = N * M


def setup_inputs(seed: int = 0) -> dict:
    key = jax.random.key(seed)
    k1, k2, k3, k4 = jax.random.split(key, 4)
    triples = jax.random.randint(k1, (N, M, 3), 0, NUM_REL)
    neighbor_indices = jax.random.randint(k2, (T,), 0, NUM_REL)
    segment_ids = jnp.sort(jax.random.randint(k3, (T,), 0, P))
    relation_table = jax.random.normal(k4, (NUM_REL, D), dtype=jnp.float32) * 0.02
    return {
        "triples": triples,
        "neighbor_indices": neighbor_indices,
        "segment_ids": segment_ids,
        "relation_table": relation_table,
    }


def reference(triples, neighbor_indices, segment_ids, relation_table):
    # EntityPairAttention forward: for each (n, m) candidate triple, embed the
    # candidate relation, embed all 'neighbouring' relations sharing the entity
    # pair (ragged, flattened + segment_ids), compute attention logits
    # (scaled dot product candidate . neighbour), softmax per segment
    # (attention_aggregator with softmax weights), weighted-sum the neighbour
    # embeddings, then score = <weighted_sum, candidate_embed>.
    n, m, _ = triples.shape
    num_pairs = n * m
    d = relation_table.shape[1]
    cand_idx = triples[:, :, 2].reshape(-1)                     # (P,)
    cand = jnp.take(relation_table, cand_idx, axis=0)           # (P, d) gather
    neigh = jnp.take(relation_table, neighbor_indices, axis=0)  # (T, d) gather
    # attention logits per neighbour
    logits = jnp.sum(neigh * cand[segment_ids], axis=-1) / jnp.sqrt(jnp.asarray(d, jnp.float32))
    # segment softmax (dim=0 softmax over each ragged neighbour list)
    seg_max = jax.ops.segment_max(logits, segment_ids, num_segments=num_pairs)
    seg_max = jnp.where(jnp.isfinite(seg_max), seg_max, 0.0)    # empty segments
    ex = jnp.exp(logits - seg_max[segment_ids])
    denom = jax.ops.segment_sum(ex, segment_ids, num_segments=num_pairs)
    w = ex / (denom[segment_ids] + 1e-9)
    # weighted sum of neighbour embeddings per entity pair (scatter-add)
    weighted = jax.ops.segment_sum(neigh * w[:, None], segment_ids, num_segments=num_pairs)
    # final score (weighted_sums * candidate_relation_embeds).sum(dim=-1)
    scores = jnp.sum(weighted * cand, axis=-1).reshape(n, m)
    return scores

if __name__ == "__main__":
    import jax
    _d = setup_inputs()
    print(jax.jit(kernel)(*tuple(_d.values())))

</pallas_src>

<mosaic_0001>
#map = affine_map<(d0, d1) -> (0)>
module attributes {stable_mosaic.version = 14 : i64} {
  func.func @_sc_body(%arg0: i32, %arg1: i32, %arg2: memref<4194304xf32, #tpu.memory_space<hbm>>, %arg3: memref<131072xi32, #tpu.memory_space<hbm>>, %arg4: memref<131072xi32, #tpu.memory_space<hbm>>, %arg5: memref<4096xi32, #tpu.memory_space<hbm>>, %arg6: memref<262144xf32, #tpu.memory_space<hbm>>, %arg7: memref<4128xi32, #tpu.memory_space<vmem>>, %arg8: memref<4096xi32, #tpu.memory_space<vmem>>, %arg9: memref<4096xi32, #tpu.memory_space<vmem>>, %arg10: memref<4096xf32, #tpu.memory_space<vmem>>, %arg11: memref<4096xi32, #tpu.memory_space<vmem>>, %arg12: memref<4096xf32, #tpu.memory_space<vmem>>, %arg13: memref<4096xf32, #tpu.memory_space<vmem>>, %arg14: memref<4096xf32, #tpu.memory_space<vmem>>, %arg15: memref<4096xf32, #tpu.memory_space<vmem>>, %arg16: memref<4096xf32, #tpu.memory_space<vmem>>, %arg17: memref<4096xf32, #tpu.memory_space<vmem>>, %arg18: memref<256xf32, #tpu.memory_space<vmem>>, %arg19: memref<256xf32, #tpu.memory_space<vmem>>, %arg20: memref<!tpu.dma_semaphore, #tpu.memory_space<semaphore_mem>>) attributes {dimension_semantics = [#tpu.dimension_semantics<core_parallel>, #tpu.dimension_semantics<subcore_parallel>], iteration_bounds = array<i64: 2, 16>, scalar_prefetch = 0 : i64, scratch_operands = 14 : i64, tpu.core_type = #tpu.core_type<sc_vector_subcore>, window_params = [{transform_indices = #map}, {transform_indices = #map}, {transform_indices = #map}, {transform_indices = #map}, {transform_indices = #map}]} {
    %mul3A = arith.constant 2 : i32
    %mul3A_0 = arith.muli %arg1, %mul3A : i32
    %add3A = arith.addi %mul3A_0, %arg0 : i32
    %mul3A_1 = arith.constant 4096 : i32
    %mul3A_2 = arith.muli %add3A, %mul3A_1 : i32
    %dma_start3A = arith.constant 16 : i32
    %dma_start3A_3 = tpu.memref_slice %arg7[%dma_start3A] : memref<4128xi32, #tpu.memory_space<vmem>> -> memref<4096xi32, #tpu.memory_space<vmem>>
    %dma_start3A_4 = tpu.memref_slice %arg4[%mul3A_2] : memref<131072xi32, #tpu.memory_space<hbm>> -> memref<4096xi32, #tpu.memory_space<hbm>>
    %dma_start3A_5 = arith.constant 16 : i32
    %dma_start3A_6 = tpu.memref_slice %arg7[%dma_start3A_5] : memref<4128xi32, #tpu.memory_space<vmem>> -> memref<4096xi32, #tpu.memory_space<vmem>>
    %dma_start3A_7 = tpu.memref_slice %arg4[%mul3A_2] : memref<131072xi32, #tpu.memory_space<hbm>> -> memref<4096xi32, #tpu.memory_space<hbm>>
    tpu.enqueue_dma source(%dma_start3A_7 : memref<4096xi32, #tpu.memory_space<hbm>>) target(%dma_start3A_6 : memref<4096xi32, #tpu.memory_space<vmem>>) target_semaphore(%arg20 : memref<!tpu.dma_semaphore, #tpu.memory_space<semaphore_mem>>)
    %dma_start3A_8 = tpu.memref_slice %arg3[%mul3A_2] : memref<131072xi32, #tpu.memory_space<hbm>> -> memref<4096xi32, #tpu.memory_space<hbm>>
    %dma_start3A_9 = tpu.memref_slice %arg3[%mul3A_2] : memref<131072xi32, #tpu.memory_space<hbm>> -> memref<4096xi32, #tpu.memory_space<hbm>>
    tpu.enqueue_dma source(%dma_start3A_9 : memref<4096xi32, #tpu.memory_space<hbm>>) target(%arg8 : memref<4096xi32, #tpu.memory_space<vmem>>) target_semaphore(%arg20 : memref<!tpu.dma_semaphore, #tpu.memory_space<semaphore_mem>>)
    tpu.enqueue_dma source(%arg5 : memref<4096xi32, #tpu.memory_space<hbm>>) target(%arg11 : memref<4096xi32, #tpu.memory_space<vmem>>) target_semaphore(%arg20 : memref<!tpu.dma_semaphore, #tpu.memory_space<semaphore_mem>>)
    %dma_wait3A = arith.constant 16 : i32
    %dma_wait3A_10 = tpu.memref_slice %arg7[%dma_wait3A] : memref<4128xi32, #tpu.memory_space<vmem>> -> memref<4096xi32, #tpu.memory_space<vmem>>
    %dma_wait3A_11 = tpu.memref_slice %arg4[%mul3A_2] : memref<131072xi32, #tpu.memory_space<hbm>> -> memref<4096xi32, #tpu.memory_space<hbm>>
    %dma_wait3A_12 = arith.constant 16 : i32
    %dma_wait3A_13 = tpu.memref_slice %arg7[%dma_wait3A_12] : memref<4128xi32, #tpu.memory_space<vmem>> -> memref<4096xi32, #tpu.memory_space<vmem>>
    %dma_wait3A_14 = tpu.memref_slice %arg4[%mul3A_2] : memref<131072xi32, #tpu.memory_space<hbm>> -> memref<4096xi32, #tpu.memory_space<hbm>>
    tpu.wait_dma2 semaphore(%arg20 : memref<!tpu.dma_semaphore, #tpu.memory_space<semaphore_mem>>) src(%dma_wait3A_14 : memref<4096xi32, #tpu.memory_space<hbm>>) dst(%dma_wait3A_13 : memref<4096xi32, #tpu.memory_space<vmem>>)
    %dma_wait3A_15 = tpu.memref_slice %arg3[%mul3A_2] : memref<131072xi32, #tpu.memory_space<hbm>> -> memref<4096xi32, #tpu.memory_space<hbm>>
    %dma_wait3A_16 = tpu.memref_slice %arg3[%mul3A_2] : memref<131072xi32, #tpu.memory_space<hbm>> -> memref<4096xi32, #tpu.memory_space<hbm>>
    tpu.wait_dma2 semaphore(%arg20 : memref<!tpu.dma_semaphore, #tpu.memory_space<semaphore_mem>>) src(%dma_wait3A_16 : memref<4096xi32, #tpu.memory_space<hbm>>) dst(%arg8 : memref<4096xi32, #tpu.memory_space<vmem>>)
    tpu.wait_dma2 semaphore(%arg20 : memref<!tpu.dma_semaphore, #tpu.memory_space<semaphore_mem>>) src(%arg5 : memref<4096xi32, #tpu.memory_space<hbm>>) dst(%arg11 : memref<4096xi32, #tpu.memory_space<vmem>>)
    %broadcast_in_dim3A = arith.constant -1 : i32
    %broadcast_in_dim3A_17 = vector.broadcast %broadcast_in_dim3A : i32 to vector<16xi32>
    %swap3A = arith.constant 0 : index
    %swap3A_18 = tpu.vector_load %arg7[%swap3A] {strides = array<i32>} : memref<4128xi32, #tpu.memory_space<vmem>>, vector<16xi32>,
    tpu.vector_store %arg7[%swap3A], %broadcast_in_dim3A_17 {strides = array<i32>} : memref<4128xi32, #tpu.memory_space<vmem>>, vector<16xi32>,
    %broadcast_in_dim3A_19 = arith.constant -2 : i32
    %broadcast_in_dim3A_20 = vector.broadcast %broadcast_in_dim3A_19 : i32 to vector<16xi32>
    %swap3A_21 = arith.constant 4112 : index
    %swap3A_22 = tpu.vector_load %arg7[%swap3A_21] {strides = array<i32>} : memref<4128xi32, #tpu.memory_space<vmem>>, vector<16xi32>,
    tpu.vector_store %arg7[%swap3A_21], %broadcast_in_dim3A_20 {strides = array<i32>} : memref<4128xi32, #tpu.memory_space<vmem>>, vector<16xi32>,
    %parallel_loop3A = arith.constant 0 : i32
    %parallel_loop3A_23 = arith.constant 256 : i32
    %parallel_loop3A_24 = arith.constant 1 : i32
    scf.for %parallel_loop3A_437 = %parallel_loop3A to %parallel_loop3A_23 step %parallel_loop3A_24  : i32 {
      %parallel_loop3A_438 = arith.constant 16 : i32
      %parallel_loop3A_439 = arith.muli %parallel_loop3A_437, %parallel_loop3A_438 : i32
      %parallel_loop3A_440 = arith.constant 16 : i32
      %parallel_loop3A_441 = arith.addi %parallel_loop3A_440, %parallel_loop3A_439 : i32
      %parallel_loop3A_442 = arith.index_cast %parallel_loop3A_441 : i32 to index
      %parallel_loop3A_443 = tpu.vector_load %arg7[%parallel_loop3A_442] {strides = array<i32>} : memref<4128xi32, #tpu.memory_space<vmem>>, vector<16xi32>,
      %parallel_loop3A_444 = arith.constant 16 : i32
      %parallel_loop3A_445 = arith.muli %parallel_loop3A_437, %parallel_loop3A_444 : i32
      %parallel_loop3A_446 = arith.index_cast %parallel_loop3A_445 : i32 to index
      %parallel_loop3A_447 = tpu.vector_load %arg8[%parallel_loop3A_446] {strides = array<i32>} : memref<4096xi32, #tpu.memory_space<vmem>>, vector<16xi32>,
      %parallel_loop3A_448 = tpu.vector_load_idx %arg11[%parallel_loop3A_443] : memref<4096xi32, #tpu.memory_space<vmem>>[vector<16xi32>], vector<16xi32>,
      %parallel_loop3A_449 = arith.constant 3 : i32
      %parallel_loop3A_450 = vector.broadcast %parallel_loop3A_449 : i32 to vector<16xi32>
      %parallel_loop3A_451 = arith.shrsi %parallel_loop3A_447, %parallel_loop3A_450 : vector<16xi32>
      %parallel_loop3A_452 = arith.constant 14 : i32
      %parallel_loop3A_453 = vector.broadcast %parallel_loop3A_452 : i32 to vector<16xi32>
      %parallel_loop3A_454 = arith.shli %parallel_loop3A_451, %parallel_loop3A_453 : vector<16xi32>
      %parallel_loop3A_455 = arith.constant 7 : i32
      %parallel_loop3A_456 = vector.broadcast %parallel_loop3A_455 : i32 to vector<16xi32>
      %parallel_loop3A_457 = arith.shrsi %parallel_loop3A_448, %parallel_loop3A_456 : vector<16xi32>
      %parallel_loop3A_458 = arith.constant 10 : i32
      %parallel_loop3A_459 = vector.broadcast %parallel_loop3A_458 : i32 to vector<16xi32>
      %parallel_loop3A_460 = arith.shli %parallel_loop3A_457, %parallel_loop3A_459 : vector<16xi32>
      %parallel_loop3A_461 = arith.addi %parallel_loop3A_454, %parallel_loop3A_460 : vector<16xi32>
      %parallel_loop3A_462 = arith.constant 7 : i32
      %parallel_loop3A_463 = vector.broadcast %parallel_loop3A_462 : i32 to vector<16xi32>
      %parallel_loop3A_464 = arith.andi %parallel_loop3A_447, %parallel_loop3A_463 : vector<16xi32>
      %parallel_loop3A_465 = arith.constant 7 : i32
      %parallel_loop3A_466 = vector.broadcast %parallel_loop3A_465 : i32 to vector<16xi32>
      %parallel_loop3A_467 = arith.shli %parallel_loop3A_464, %parallel_loop3A_466 : vector<16xi32>
      %parallel_loop3A_468 = arith.addi %parallel_loop3A_461, %parallel_loop3A_467 : vector<16xi32>
      %parallel_loop3A_469 = arith.constant 127 : i32
      %parallel_loop3A_470 = vector.broadcast %parallel_loop3A_469 : i32 to vector<16xi32>
      %parallel_loop3A_471 = arith.andi %parallel_loop3A_448, %parallel_loop3A_470 : vector<16xi32>
      %parallel_loop3A_472 = arith.addi %parallel_loop3A_468, %parallel_loop3A_471 : vector<16xi32>
      %parallel_loop3A_473 = arith.constant 16 : i32
      %parallel_loop3A_474 = arith.muli %parallel_loop3A_437, %parallel_loop3A_473 : i32
      %parallel_loop3A_475 = arith.index_cast %parallel_loop3A_474 : i32 to index
      %parallel_loop3A_476 = tpu.vector_load %arg9[%parallel_loop3A_475] {strides = array<i32>} : memref<4096xi32, #tpu.memory_space<vmem>>, vector<16xi32>,
      tpu.vector_store %arg9[%parallel_loop3A_475], %parallel_loop3A_472 {strides = array<i32>} : memref<4096xi32, #tpu.memory_space<vmem>>, vector<16xi32>,
    } {sc.loop_unroll_factor = 4 : i64, sc.parallel_access}
    %dma_start3A_25 = arith.constant 0 : i32
    %dma_start3A_26 = tpu.memref_slice %arg10[%dma_start3A_25] : memref<4096xf32, #tpu.memory_space<vmem>> -> memref<128xf32, #tpu.memory_space<vmem>>
    %dma_start3A_27 = arith.constant 0 : i32
    %dma_start3A_28 = tpu.memref_slice %arg9[%dma_start3A_27] : memref<4096xi32, #tpu.memory_space<vmem>> -> memref<128xi32, #tpu.memory_space<vmem>>
    %dma_start3A_29 = arith.constant 0 : i32
    %dma_start3A_30 = tpu.memref_slice %arg2[%dma_start3A_29] : memref<4194304xf32, #tpu.memory_space<hbm>> -> memref<4194304xf32, #tpu.memory_space<hbm>>
    tpu.enqueue_indirect_dma source(%dma_start3A_30 : memref<4194304xf32, #tpu.memory_space<hbm>>) target(%dma_start3A_26 : memref<128xf32, #tpu.memory_space<vmem>>) offsets(%dma_start3A_28 : memref<128xi32, #tpu.memory_space<vmem>>) semaphore(%arg20 : memref<!tpu.dma_semaphore, #tpu.memory_space<semaphore_mem>>)
    %dma_start3A_31 = arith.constant 128 : i32
    %dma_start3A_32 = tpu.memref_slice %arg10[%dma_start3A_31] : memref<4096xf32, #tpu.memory_space<vmem>> -> memref<128xf32, #tpu.memory_space<vmem>>
    %dma_start3A_33 = arith.constant 128 : i32
    %dma_start3A_34 = tpu.memref_slice %arg9[%dma_start3A_33] : memref<4096xi32, #tpu.memory_space<vmem>> -> memref<128xi32, #tpu.memory_space<vmem>>
    %dma_start3A_35 = arith.constant 0 : i32
    %dma_start3A_36 = tpu.memref_slice %arg2[%dma_start3A_35] : memref<4194304xf32, #tpu.memory_space<hbm>> -> memref<4194304xf32, #tpu.memory_space<hbm>>
    tpu.enqueue_indirect_dma source(%dma_start3A_36 : memref<4194304xf32, #tpu.memory_space<hbm>>) target(%dma_start3A_32 : memref<128xf32, #tpu.memory_space<vmem>>) offsets(%dma_start3A_34 : memref<128xi32, #tpu.memory_space<vmem>>) semaphore(%arg20 : memref<!tpu.dma_semaphore, #tpu.memory_space<semaphore_mem>>)
    %dma_start3A_37 = arith.constant 256 : i32
    %dma_start3A_38 = tpu.memref_slice %arg10[%dma_start3A_37] : memref<4096xf32, #tpu.memory_space<vmem>> -> memref<128xf32, #tpu.memory_space<vmem>>
    %dma_start3A_39 = arith.constant 256 : i32
    %dma_start3A_40 = tpu.memref_slice %arg9[%dma_start3A_39] : memref<4096xi32, #tpu.memory_space<vmem>> -> memref<128xi32, #tpu.memory_space<vmem>>
    %dma_start3A_41 = arith.constant 0 : i32
    %dma_start3A_42 = tpu.memref_slice %arg2[%dma_start3A_41] : memref<4194304xf32, #tpu.memory_space<hbm>> -> memref<4194304xf32, #tpu.memory_space<hbm>>
    tpu.enqueue_indirect_dma source(%dma_start3A_42 : memref<4194304xf32, #tpu.memory_space<hbm>>) target(%dma_start3A_38 : memref<128xf32, #tpu.memory_space<vmem>>) offsets(%dma_start3A_40 : memref<128xi32, #tpu.memory_space<vmem>>) semaphore(%arg20 : memref<!tpu.dma_semaphore, #tpu.memory_space<semaphore_mem>>)
    %dma_start3A_43 = arith.constant 384 : i32
    %dma_start3A_44 = tpu.memref_slice %arg10[%dma_start3A_43] : memref<4096xf32, #tpu.memory_space<vmem>> -> memref<128xf32, #tpu.memory_space<vmem>>
    %dma_start3A_45 = arith.constant 384 : i32
    %dma_start3A_46 = tpu.memref_slice %arg9[%dma_start3A_45] : memref<4096xi32, #tpu.memory_space<vmem>> -> memref<128xi32, #tpu.memory_space<vmem>>
    %dma_start3A_47 = arith.constant 0 : i32
    %dma_start3A_48 = tpu.memref_slice %arg2[%dma_start3A_47] : memref<4194304xf32, #tpu.memory_space<hbm>> -> memref<4194304xf32, #tpu.memory_space<hbm>>
    tpu.enqueue_indirect_dma source(%dma_start3A_48 : memref<4194304xf32, #tpu.memory_space<hbm>>) target(%dma_start3A_44 : memref<128xf32, #tpu.memory_space<vmem>>) offsets(%dma_start3A_46 : memref<128xi32, #tpu.memory_space<vmem>>) semaphore(%arg20 : memref<!tpu.dma_semaphore, #tpu.memory_space<semaphore_mem>>)
    %dma_start3A_49 = arith.constant 512 : i32
    %dma_start3A_50 = tpu.memref_slice %arg10[%dma_start3A_49] : memref<4096xf32, #tpu.memory_space<vmem>> -> memref<128xf32, #tpu.memory_space<vmem>>
    %dma_start3A_51 = arith.constant 512 : i32
    %dma_start3A_52 = tpu.memref_slice %arg9[%dma_start3A_51] : memref<4096xi32, #tpu.memory_space<vmem>> -> memref<128xi32, #tpu.memory_space<vmem>>
    %dma_start3A_53 = arith.constant 0 : i32
    %dma_start3A_54 = tpu.memref_slice %arg2[%dma_start3A_53] : memref<4194304xf32, #tpu.memory_space<hbm>> -> memref<4194304xf32, #tpu.memory_space<hbm>>
    tpu.enqueue_indirect_dma source(%dma_start3A_54 : memref<4194304xf32, #tpu.memory_space<hbm>>) target(%dma_start3A_50 : memref<128xf32, #tpu.memory_space<vmem>>) offsets(%dma_start3A_52 : memref<128xi32, #tpu.memory_space<vmem>>) semaphore(%arg20 : memref<!tpu.dma_semaphore, #tpu.memory_space<semaphore_mem>>)
    %dma_start3A_55 = arith.constant 640 : i32
    %dma_start3A_56 = tpu.memref_slice %arg10[%dma_start3A_55] : memref<4096xf32, #tpu.memory_space<vmem>> -> memref<128xf32, #tpu.memory_space<vmem>>
    %dma_start3A_57 = arith.constant 640 : i32
    %dma_start3A_58 = tpu.memref_slice %arg9[%dma_start3A_57] : memref<4096xi32, #tpu.memory_space<vmem>> -> memref<128xi32, #tpu.memory_space<vmem>>
    %dma_start3A_59 = arith.constant 0 : i32
    %dma_start3A_60 = tpu.memref_slice %arg2[%dma_start3A_59] : memref<4194304xf32, #tpu.memory_space<hbm>> -> memref<4194304xf32, #tpu.memory_space<hbm>>
    tpu.enqueue_indirect_dma source(%dma_start3A_60 : memref<4194304xf32, #tpu.memory_space<hbm>>) target(%dma_start3A_56 : memref<128xf32, #tpu.memory_space<vmem>>) offsets(%dma_start3A_58 : memref<128xi32, #tpu.memory_space<vmem>>) semaphore(%arg20 : memref<!tpu.dma_semaphore, #tpu.memory_space<semaphore_mem>>)
    %dma_start3A_61 = arith.constant 768 : i32
    %dma_start3A_62 = tpu.memref_slice %arg10[%dma_start3A_61] : memref<4096xf32, #tpu.memory_space<vmem>> -> memref<128xf32, #tpu.memory_space<vmem>>
    %dma_start3A_63 = arith.constant 768 : i32
    %dma_start3A_64 = tpu.memref_slice %arg9[%dma_start3A_63] : memref<4096xi32, #tpu.memory_space<vmem>> -> memref<128xi32, #tpu.memory_space<vmem>>
    %dma_start3A_65 = arith.constant 0 : i32
    %dma_start3A_66 = tpu.memref_slice %arg2[%dma_start3A_65] : memref<4194304xf32, #tpu.memory_space<hbm>> -> memref<4194304xf32, #tpu.memory_space<hbm>>
    tpu.enqueue_indirect_dma source(%dma_start3A_66 : memref<4194304xf32, #tpu.memory_space<hbm>>) target(%dma_start3A_62 : memref<128xf32, #tpu.memory_space<vmem>>) offsets(%dma_start3A_64 : memref<128xi32, #tpu.memory_space<vmem>>) semaphore(%arg20 : memref<!tpu.dma_semaphore, #tpu.memory_space<semaphore_mem>>)
    %dma_start3A_67 = arith.constant 896 : i32
    %dma_start3A_68 = tpu.memref_slice %arg10[%dma_start3A_67] : memref<4096xf32, #tpu.memory_space<vmem>> -> memref<128xf32, #tpu.memory_space<vmem>>
    %dma_start3A_69 = arith.constant 896 : i32
    %dma_start3A_70 = tpu.memref_slice %arg9[%dma_start3A_69] : memref<4096xi32, #tpu.memory_space<vmem>> -> memref<128xi32, #tpu.memory_space<vmem>>
    %dma_start3A_71 = arith.constant 0 : i32
    %dma_start3A_72 = tpu.memref_slice %arg2[%dma_start3A_71] : memref<4194304xf32, #tpu.memory_space<hbm>> -> memref<4194304xf32, #tpu.memory_space<hbm>>
    tpu.enqueue_indirect_dma source(%dma_start3A_72 : memref<4194304xf32, #tpu.memory_space<hbm>>) target(%dma_start3A_68 : memref<128xf32, #tpu.memory_space<vmem>>) offsets(%dma_start3A_70 : memref<128xi32, #tpu.memory_space<vmem>>) semaphore(%arg20 : memref<!tpu.dma_semaphore, #tpu.memory_space<semaphore_mem>>)
    %dma_start3A_73 = arith.constant 1024 : i32
    %dma_start3A_74 = tpu.memref_slice %arg10[%dma_start3A_73] : memref<4096xf32, #tpu.memory_space<vmem>> -> memref<128xf32, #tpu.memory_space<vmem>>
    %dma_start3A_75 = arith.constant 1024 : i32
    %dma_start3A_76 = tpu.memref_slice %arg9[%dma_start3A_75] : memref<4096xi32, #tpu.memory_space<vmem>> -> memref<128xi32, #tpu.memory_space<vmem>>
    %dma_start3A_77 = arith.constant 0 : i32
    %dma_start3A_78 = tpu.memref_slice %arg2[%dma_start3A_77] : memref<4194304xf32, #tpu.memory_space<hbm>> -> memref<4194304xf32, #tpu.memory_space<hbm>>
    tpu.enqueue_indirect_dma source(%dma_start3A_78 : memref<4194304xf32, #tpu.memory_space<hbm>>) target(%dma_start3A_74 : memref<128xf32, #tpu.memory_space<vmem>>) offsets(%dma_start3A_76 : memref<128xi32, #tpu.memory_space<vmem>>) semaphore(%arg20 : memref<!tpu.dma_semaphore, #tpu.memory_space<semaphore_mem>>)
    %dma_start3A_79 = arith.constant 1152 : i32
    %dma_start3A_80 = tpu.memref_slice %arg10[%dma_start3A_79] : memref<4096xf32, #tpu.memory_space<vmem>> -> memref<128xf32, #tpu.memory_space<vmem>>
    %dma_start3A_81 = arith.constant 1152 : i32
    %dma_start3A_82 = tpu.memref_slice %arg9[%dma_start3A_81] : memref<4096xi32, #tpu.memory_space<vmem>> -> memref<128xi32, #tpu.memory_space<vmem>>
    %dma_start3A_83 = arith.constant 0 : i32
    %dma_start3A_84 = tpu.memref_slice %arg2[%dma_start3A_83] : memref<4194304xf32, #tpu.memory_space<hbm>> -> memref<4194304xf32, #tpu.memory_space<hbm>>
    tpu.enqueue_indirect_dma source(%dma_start3A_84 : memref<4194304xf32, #tpu.memory_space<hbm>>) target(%dma_start3A_80 : memref<128xf32, #tpu.memory_space<vmem>>) offsets(%dma_start3A_82 : memref<128xi32, #tpu.memory_space<vmem>>) semaphore(%arg20 : memref<!tpu.dma_semaphore, #tpu.memory_space<semaphore_mem>>)
    %dma_start3A_85 = arith.constant 1280 : i32
    %dma_start3A_86 = tpu.memref_slice %arg10[%dma_start3A_85] : memref<4096xf32, #tpu.memory_space<vmem>> -> memref<128xf32, #tpu.memory_space<vmem>>
    %dma_start3A_87 = arith.constant 1280 : i32
    %dma_start3A_88 = tpu.memref_slice %arg9[%dma_start3A_87] : memref<4096xi32, #tpu.memory_space<vmem>> -> memref<128xi32, #tpu.memory_space<vmem>>
    %dma_start3A_89 = arith.constant 0 : i32
    %dma_start3A_90 = tpu.memref_slice %arg2[%dma_start3A_89] : memref<4194304xf32, #tpu.memory_space<hbm>> -> memref<4194304xf32, #tpu.memory_space<hbm>>
    tpu.enqueue_indirect_dma source(%dma_start3A_90 : memref<4194304xf32, #tpu.memory_space<hbm>>) target(%dma_start3A_86 : memref<128xf32, #tpu.memory_space<vmem>>) offsets(%dma_start3A_88 : memref<128xi32, #tpu.memory_space<vmem>>) semaphore(%arg20 : memref<!tpu.dma_semaphore, #tpu.memory_space<semaphore_mem>>)
    %dma_start3A_91 = arith.constant 1408 : i32
    %dma_start3A_92 = tpu.memref_slice %arg10[%dma_start3A_91] : memref<4096xf32, #tpu.memory_space<vmem>> -> memref<128xf32, #tpu.memory_space<vmem>>
    %dma_start3A_93 = arith.constant 1408 : i32
    %dma_start3A_94 = tpu.memref_slice %arg9[%dma_start3A_93] : memref<4096xi32, #tpu.memory_space<vmem>> -> memref<128xi32, #tpu.memory_space<vmem>>
    %dma_start3A_95 = arith.constant 0 : i32
    %dma_start3A_96 = tpu.memref_slice %arg2[%dma_start3A_95] : memref<4194304xf32, #tpu.memory_space<hbm>> -> memref<4194304xf32, #tpu.memory_space<hbm>>
    tpu.enqueue_indirect_dma source(%dma_start3A_96 : memref<4194304xf32, #tpu.memory_space<hbm>>) target(%dma_start3A_92 : memref<128xf32, #tpu.memory_space<vmem>>) offsets(%dma_start3A_94 : memref<128xi32, #tpu.memory_space<vmem>>) semaphore(%arg20 : memref<!tpu.dma_semaphore, #tpu.memory_space<semaphore_mem>>)
    %dma_start3A_97 = arith.constant 1536 : i32
    %dma_start3A_98 = tpu.memref_slice %arg10[%dma_start3A_97] : memref<4096xf32, #tpu.memory_space<vmem>> -> memref<128xf32, #tpu.memory_space<vmem>>
    %dma_start3A_99 = arith.constant 1536 : i32
    %dma_start3A_100 = tpu.memref_slice %arg9[%dma_start3A_99] : memref<4096xi32, #tpu.memory_space<vmem>> -> memref<128xi32, #tpu.memory_space<vmem>>
    %dma_start3A_101 = arith.constant 0 : i32
    %dma_start3A_102 = tpu.memref_slice %arg2[%dma_start3A_101] : memref<4194304xf32, #tpu.memory_space<hbm>> -> memref<4194304xf32, #tpu.memory_space<hbm>>
    tpu.enqueue_indirect_dma source(%dma_start3A_102 : memref<4194304xf32, #tpu.memory_space<hbm>>) target(%dma_start3A_98 : memref<128xf32, #tpu.memory_space<vmem>>) offsets(%dma_start3A_100 : memref<128xi32, #tpu.memory_space<vmem>>) semaphore(%arg20 : memref<!tpu.dma_semaphore, #tpu.memory_space<semaphore_mem>>)
    %dma_start3A_103 = arith.constant 1664 : i32
    %dma_start3A_104 = tpu.memref_slice %arg10[%dma_start3A_103] : memref<4096xf32, #tpu.memory_space<vmem>> -> memref<128xf32, #tpu.memory_space<vmem>>
    %dma_start3A_105 = arith.constant 1664 : i32
    %dma_start3A_106 = tpu.memref_slice %arg9[%dma_start3A_105] : memref<4096xi32, #tpu.memory_space<vmem>> -> memref<128xi32, #tpu.memory_space<vmem>>
    %dma_start3A_107 = arith.constant 0 : i32
    %dma_start3A_108 = tpu.memref_slice %arg2[%dma_start3A_107] : memref<4194304xf32, #tpu.memory_space<hbm>> -> memref<4194304xf32, #tpu.memory_space<hbm>>
    tpu.enqueue_indirect_dma source(%dma_start3A_108 : memref<4194304xf32, #tpu.memory_space<hbm>>) target(%dma_start3A_104 : memref<128xf32, #tpu.memory_space<vmem>>) offsets(%dma_start3A_106 : memref<128xi32, #tpu.memory_space<vmem>>) semaphore(%arg20 : memref<!tpu.dma_semaphore, #tpu.memory_space<semaphore_mem>>)
    %dma_start3A_109 = arith.constant 1792 : i32
    %dma_start3A_110 = tpu.memref_slice %arg10[%dma_start3A_109] : memref<4096xf32, #tpu.memory_space<vmem>> -> memref<128xf32, #tpu.memory_space<vmem>>
    %dma_start3A_111 = arith.constant 1792 : i32
    %dma_start3A_112 = tpu.memref_slice %arg9[%dma_start3A_111] : memref<4096xi32, #tpu.memory_space<vmem>> -> memref<128xi32, #tpu.memory_space<vmem>>
    %dma_start3A_113 = arith.constant 0 : i32
    %dma_start3A_114 = tpu.memref_slice %arg2[%dma_start3A_113] : memref<4194304xf32, #tpu.memory_space<hbm>> -> memref<4194304xf32, #tpu.memory_space<hbm>>
    tpu.enqueue_indirect_dma source(%dma_start3A_114 : memref<4194304xf32, #tpu.memory_space<hbm>>) target(%dma_start3A_110 : memref<128xf32, #tpu.memory_space<vmem>>) offsets(%dma_start3A_112 : memref<128xi32, #tpu.memory_space<vmem>>) semaphore(%arg20 : memref<!tpu.dma_semaphore, #tpu.memory_space<semaphore_mem>>)
    %dma_start3A_115 = arith.constant 1920 : i32
    %dma_start3A_116 = tpu.memref_slice %arg10[%dma_start3A_115] : memref<4096xf32, #tpu.memory_space<vmem>> -> memref<128xf32, #tpu.memory_space<vmem>>
    %dma_start3A_117 = arith.constant 1920 : i32
    %dma_start3A_118 = tpu.memref_slice %arg9[%dma_start3A_117] : memref<4096xi32, #tpu.memory_space<vmem>> -> memref<128xi32, #tpu.memory_space<vmem>>
    %dma_start3A_119 = arith.constant 0 : i32
    %dma_start3A_120 = tpu.memref_slice %arg2[%dma_start3A_119] : memref<4194304xf32, #tpu.memory_space<hbm>> -> memref<4194304xf32, #tpu.memory_space<hbm>>
    tpu.enqueue_indirect_dma source(%dma_start3A_120 : memref<4194304xf32, #tpu.memory_space<hbm>>) target(%dma_start3A_116 : memref<128xf32, #tpu.memory_space<vmem>>) offsets(%dma_start3A_118 : memref<128xi32, #tpu.memory_space<vmem>>) semaphore(%arg20 : memref<!tpu.dma_semaphore, #tpu.memory_space<semaphore_mem>>)
    %dma_start3A_121 = arith.constant 2048 : i32
    %dma_start3A_122 = tpu.memref_slice %arg10[%dma_start3A_121] : memref<4096xf32, #tpu.memory_space<vmem>> -> memref<128xf32, #tpu.memory_space<vmem>>
    %dma_start3A_123 = arith.constant 2048 : i32
    %dma_start3A_124 = tpu.memref_slice %arg9[%dma_start3A_123] : memref<4096xi32, #tpu.memory_space<vmem>> -> memref<128xi32, #tpu.memory_space<vmem>>
    %dma_start3A_125 = arith.constant 0 : i32
    %dma_start3A_126 = tpu.memref_slice %arg2[%dma_start3A_125] : memref<4194304xf32, #tpu.memory_space<hbm>> -> memref<4194304xf32, #tpu.memory_space<hbm>>
    tpu.enqueue_indirect_dma source(%dma_start3A_126 : memref<4194304xf32, #tpu.memory_space<hbm>>) target(%dma_start3A_122 : memref<128xf32, #tpu.memory_space<vmem>>) offsets(%dma_start3A_124 : memref<128xi32, #tpu.memory_space<vmem>>) semaphore(%arg20 : memref<!tpu.dma_semaphore, #tpu.memory_space<semaphore_mem>>)
    %dma_start3A_127 = arith.constant 2176 : i32
    %dma_start3A_128 = tpu.memref_slice %arg10[%dma_start3A_127] : memref<4096xf32, #tpu.memory_space<vmem>> -> memref<128xf32, #tpu.memory_space<vmem>>
    %dma_start3A_129 = arith.constant 2176 : i32
    %dma_start3A_130 = tpu.memref_slice %arg9[%dma_start3A_129] : memref<4096xi32, #tpu.memory_space<vmem>> -> memref<128xi32, #tpu.memory_space<vmem>>
    %dma_start3A_131 = arith.constant 0 : i32
    %dma_start3A_132 = tpu.memref_slice %arg2[%dma_start3A_131] : memref<4194304xf32, #tpu.memory_space<hbm>> -> memref<4194304xf32, #tpu.memory_space<hbm>>
    tpu.enqueue_indirect_dma source(%dma_start3A_132 : memref<4194304xf32, #tpu.memory_space<hbm>>) target(%dma_start3A_128 : memref<128xf32, #tpu.memory_space<vmem>>) offsets(%dma_start3A_130 : memref<128xi32, #tpu.memory_space<vmem>>) semaphore(%arg20 : memref<!tpu.dma_semaphore, #tpu.memory_space<semaphore_mem>>)
    %dma_start3A_133 = arith.constant 2304 : i32
    %dma_start3A_134 = tpu.memref_slice %arg10[%dma_start3A_133] : memref<4096xf32, #tpu.memory_space<vmem>> -> memref<128xf32, #tpu.memory_space<vmem>>
    %dma_start3A_135 = arith.constant 2304 : i32
    %dma_start3A_136 = tpu.memref_slice %arg9[%dma_start3A_135] : memref<4096xi32, #tpu.memory_space<vmem>> -> memref<128xi32, #tpu.memory_space<vmem>>
    %dma_start3A_137 = arith.constant 0 : i32
    %dma_start3A_138 = tpu.memref_slice %arg2[%dma_start3A_137] : memref<4194304xf32, #tpu.memory_space<hbm>> -> memref<4194304xf32, #tpu.memory_space<hbm>>
    tpu.enqueue_indirect_dma source(%dma_start3A_138 : memref<4194304xf32, #tpu.memory_space<hbm>>) target(%dma_start3A_134 : memref<128xf32, #tpu.memory_space<vmem>>) offsets(%dma_start3A_136 : memref<128xi32, #tpu.memory_space<vmem>>) semaphore(%arg20 : memref<!tpu.dma_semaphore, #tpu.memory_space<semaphore_mem>>)
    %dma_start3A_139 = arith.constant 2432 : i32
    %dma_start3A_140 = tpu.memref_slice %arg10[%dma_start3A_139] : memref<4096xf32, #tpu.memory_space<vmem>> -> memref<128xf32, #tpu.memory_space<vmem>>
    %dma_start3A_141 = arith.constant 2432 : i32
    %dma_start3A_142 = tpu.memref_slice %arg9[%dma_start3A_141] : memref<4096xi32, #tpu.memory_space<vmem>> -> memref<128xi32, #tpu.memory_space<vmem>>
    %dma_start3A_143 = arith.constant 0 : i32
    %dma_start3A_144 = tpu.memref_slice %arg2[%dma_start3A_143] : memref<4194304xf32, #tpu.memory_space<hbm>> -> memref<4194304xf32, #tpu.memory_space<hbm>>
    tpu.enqueue_indirect_dma source(%dma_start3A_144 : memref<4194304xf32, #tpu.memory_space<hbm>>) target(%dma_start3A_140 : memref<128xf32, #tpu.memory_space<vmem>>) offsets(%dma_start3A_142 : memref<128xi32, #tpu.memory_space<vmem>>) semaphore(%arg20 : memref<!tpu.dma_semaphore, #tpu.memory_space<semaphore_mem>>)
    %dma_start3A_145 = arith.constant 2560 : i32
    %dma_start3A_146 = tpu.memref_slice %arg10[%dma_start3A_145] : memref<4096xf32, #tpu.memory_space<vmem>> -> memref<128xf32, #tpu.memory_space<vmem>>
    %dma_start3A_147 = arith.constant 2560 : i32
    %dma_start3A_148 = tpu.memref_slice %arg9[%dma_start3A_147] : memref<4096xi32, #tpu.memory_space<vmem>> -> memref<128xi32, #tpu.memory_space<vmem>>
    %dma_start3A_149 = arith.constant 0 : i32
    %dma_start3A_150 = tpu.memref_slice %arg2[%dma_start3A_149] : memref<4194304xf32, #tpu.memory_space<hbm>> -> memref<4194304xf32, #tpu.memory_space<hbm>>
    tpu.enqueue_indirect_dma source(%dma_start3A_150 : memref<4194304xf32, #tpu.memory_space<hbm>>) target(%dma_start3A_146 : memref<128xf32, #tpu.memory_space<vmem>>) offsets(%dma_start3A_148 : memref<128xi32, #tpu.memory_space<vmem>>) semaphore(%arg20 : memref<!tpu.dma_semaphore, #tpu.memory_space<semaphore_mem>>)
    %dma_start3A_151 = arith.constant 2688 : i32
    %dma_start3A_152 = tpu.memref_slice %arg10[%dma_start3A_151] : memref<4096xf32, #tpu.memory_space<vmem>> -> memref<128xf32, #tpu.memory_space<vmem>>
    %dma_start3A_153 = arith.constant 2688 : i32
    %dma_start3A_154 = tpu.memref_slice %arg9[%dma_start3A_153] : memref<4096xi32, #tpu.memory_space<vmem>> -> memref<128xi32, #tpu.memory_space<vmem>>
    %dma_start3A_155 = arith.constant 0 : i32
    %dma_start3A_156 = tpu.memref_slice %arg2[%dma_start3A_155] : memref<4194304xf32, #tpu.memory_space<hbm>> -> memref<4194304xf32, #tpu.memory_space<hbm>>
    tpu.enqueue_indirect_dma source(%dma_start3A_156 : memref<4194304xf32, #tpu.memory_space<hbm>>) target(%dma_start3A_152 : memref<128xf32, #tpu.memory_space<vmem>>) offsets(%dma_start3A_154 : memref<128xi32, #tpu.memory_space<vmem>>) semaphore(%arg20 : memref<!tpu.dma_semaphore, #tpu.memory_space<semaphore_mem>>)
    %dma_start3A_157 = arith.constant 2816 : i32
    %dma_start3A_158 = tpu.memref_slice %arg10[%dma_start3A_157] : memref<4096xf32, #tpu.memory_space<vmem>> -> memref<128xf32, #tpu.memory_space<vmem>>
    %dma_start3A_159 = arith.constant 2816 : i32
    %dma_start3A_160 = tpu.memref_slice %arg9[%dma_start3A_159] : memref<4096xi32, #tpu.memory_space<vmem>> -> memref<128xi32, #tpu.memory_space<vmem>>
    %dma_start3A_161 = arith.constant 0 : i32
    %dma_start3A_162 = tpu.memref_slice %arg2[%dma_start3A_161] : memref<4194304xf32, #tpu.memory_space<hbm>> -> memref<4194304xf32, #tpu.memory_space<hbm>>
    tpu.enqueue_indirect_dma source(%dma_start3A_162 : memref<4194304xf32, #tpu.memory_space<hbm>>) target(%dma_start3A_158 : memref<128xf32, #tpu.memory_space<vmem>>) offsets(%dma_start3A_160 : memref<128xi32, #tpu.memory_space<vmem>>) semaphore(%arg20 : memref<!tpu.dma_semaphore, #tpu.memory_space<semaphore_mem>>)
    %dma_start3A_163 = arith.constant 2944 : i32
    %dma_start3A_164 = tpu.memref_slice %arg10[%dma_start3A_163] : memref<4096xf32, #tpu.memory_space<vmem>> -> memref<128xf32, #tpu.memory_space<vmem>>
    %dma_start3A_165 = arith.constant 2944 : i32
    %dma_start3A_166 = tpu.memref_slice %arg9[%dma_start3A_165] : memref<4096xi32, #tpu.memory_space<vmem>> -> memref<128xi32, #tpu.memory_space<vmem>>
    %dma_start3A_167 = arith.constant 0 : i32
    %dma_start3A_168 = tpu.memref_slice %arg2[%dma_start3A_167] : memref<4194304xf32, #tpu.memory_space<hbm>> -> memref<4194304xf32, #tpu.memory_space<hbm>>
    tpu.enqueue_indirect_dma source(%dma_start3A_168 : memref<4194304xf32, #tpu.memory_space<hbm>>) target(%dma_start3A_164 : memref<128xf32, #tpu.memory_space<vmem>>) offsets(%dma_start3A_166 : memref<128xi32, #tpu.memory_space<vmem>>) semaphore(%arg20 : memref<!tpu.dma_semaphore, #tpu.memory_space<semaphore_mem>>)
    %dma_start3A_169 = arith.constant 3072 : i32
    %dma_start3A_170 = tpu.memref_slice %arg10[%dma_start3A_169] : memref<4096xf32, #tpu.memory_space<vmem>> -> memref<128xf32, #tpu.memory_space<vmem>>
    %dma_start3A_171 = arith.constant 3072 : i32
    %dma_start3A_172 = tpu.memref_slice %arg9[%dma_start3A_171] : memref<4096xi32, #tpu.memory_space<vmem>> -> memref<128xi32, #tpu.memory_space<vmem>>
    %dma_start3A_173 = arith.constant 0 : i32
    %dma_start3A_174 = tpu.memref_slice %arg2[%dma_start3A_173] : memref<4194304xf32, #tpu.memory_space<hbm>> -> memref<4194304xf32, #tpu.memory_space<hbm>>
    tpu.enqueue_indirect_dma source(%dma_start3A_174 : memref<4194304xf32, #tpu.memory_space<hbm>>) target(%dma_start3A_170 : memref<128xf32, #tpu.memory_space<vmem>>) offsets(%dma_start3A_172 : memref<128xi32, #tpu.memory_space<vmem>>) semaphore(%arg20 : memref<!tpu.dma_semaphore, #tpu.memory_space<semaphore_mem>>)
    %dma_start3A_175 = arith.constant 3200 : i32
    %dma_start3A_176 = tpu.memref_slice %arg10[%dma_start3A_175] : memref<4096xf32, #tpu.memory_space<vmem>> -> memref<128xf32, #tpu.memory_space<vmem>>
    %dma_start3A_177 = arith.constant 3200 : i32
    %dma_start3A_178 = tpu.memref_slice %arg9[%dma_start3A_177] : memref<4096xi32, #tpu.memory_space<vmem>> -> memref<128xi32, #tpu.memory_space<vmem>>
    %dma_start3A_179 = arith.constant 0 : i32
    %dma_start3A_180 = tpu.memref_slice %arg2[%dma_start3A_179] : memref<4194304xf32, #tpu.memory_space<hbm>> -> memref<4194304xf32, #tpu.memory_space<hbm>>
    tpu.enqueue_indirect_dma source(%dma_start3A_180 : memref<4194304xf32, #tpu.memory_space<hbm>>) target(%dma_start3A_176 : memref<128xf32, #tpu.memory_space<vmem>>) offsets(%dma_start3A_178 : memref<128xi32, #tpu.memory_space<vmem>>) semaphore(%arg20 : memref<!tpu.dma_semaphore, #tpu.memory_space<semaphore_mem>>)
    %dma_start3A_181 = arith.constant 3328 : i32
    %dma_start3A_182 = tpu.memref_slice %arg10[%dma_start3A_181] : memref<4096xf32, #tpu.memory_space<vmem>> -> memref<128xf32, #tpu.memory_space<vmem>>
    %dma_start3A_183 = arith.constant 3328 : i32
    %dma_start3A_184 = tpu.memref_slice %arg9[%dma_start3A_183] : memref<4096xi32, #tpu.memory_space<vmem>> -> memref<128xi32, #tpu.memory_space<vmem>>
    %dma_start3A_185 = arith.constant 0 : i32
    %dma_start3A_186 = tpu.memref_slice %arg2[%dma_start3A_185] : memref<4194304xf32, #tpu.memory_space<hbm>> -> memref<4194304xf32, #tpu.memory_space<hbm>>
    tpu.enqueue_indirect_dma source(%dma_start3A_186 : memref<4194304xf32, #tpu.memory_space<hbm>>) target(%dma_start3A_182 : memref<128xf32, #tpu.memory_space<vmem>>) offsets(%dma_start3A_184 : memref<128xi32, #tpu.memory_space<vmem>>) semaphore(%arg20 : memref<!tpu.dma_semaphore, #tpu.memory_space<semaphore_mem>>)
    %dma_start3A_187 = arith.constant 3456 : i32
    %dma_start3A_188 = tpu.memref_slice %arg10[%dma_start3A_187] : memref<4096xf32, #tpu.memory_space<vmem>> -> memref<128xf32, #tpu.memory_space<vmem>>
    %dma_start3A_189 = arith.constant 3456 : i32
    %dma_start3A_190 = tpu.memref_slice %arg9[%dma_start3A_189] : memref<4096xi32, #tpu.memory_space<vmem>> -> memref<128xi32, #tpu.memory_space<vmem>>
    %dma_start3A_191 = arith.constant 0 : i32
    %dma_start3A_192 = tpu.memref_slice %arg2[%dma_start3A_191] : memref<4194304xf32, #tpu.memory_space<hbm>> -> memref<4194304xf32, #tpu.memory_space<hbm>>
    tpu.enqueue_indirect_dma source(%dma_start3A_192 : memref<4194304xf32, #tpu.memory_space<hbm>>) target(%dma_start3A_188 : memref<128xf32, #tpu.memory_space<vmem>>) offsets(%dma_start3A_190 : memref<128xi32, #tpu.memory_space<vmem>>) semaphore(%arg20 : memref<!tpu.dma_semaphore, #tpu.memory_space<semaphore_mem>>)
    %dma_start3A_193 = arith.constant 3584 : i32
    %dma_start3A_194 = tpu.memref_slice %arg10[%dma_start3A_193] : memref<4096xf32, #tpu.memory_space<vmem>> -> memref<128xf32, #tpu.memory_space<vmem>>
    %dma_start3A_195 = arith.constant 3584 : i32
    %dma_start3A_196 = tpu.memref_slice %arg9[%dma_start3A_195] : memref<4096xi32, #tpu.memory_space<vmem>> -> memref<128xi32, #tpu.memory_space<vmem>>
    %dma_start3A_197 = arith.constant 0 : i32
    %dma_start3A_198 = tpu.memref_slice %arg2[%dma_start3A_197] : memref<4194304xf32, #tpu.memory_space<hbm>> -> memref<4194304xf32, #tpu.memory_space<hbm>>
    tpu.enqueue_indirect_dma source(%dma_start3A_198 : memref<4194304xf32, #tpu.memory_space<hbm>>) target(%dma_start3A_194 : memref<128xf32, #tpu.memory_space<vmem>>) offsets(%dma_start3A_196 : memref<128xi32, #tpu.memory_space<vmem>>) semaphore(%arg20 : memref<!tpu.dma_semaphore, #tpu.memory_space<semaphore_mem>>)
    %dma_start3A_199 = arith.constant 3712 : i32
    %dma_start3A_200 = tpu.memref_slice %arg10[%dma_start3A_199] : memref<4096xf32, #tpu.memory_space<vmem>> -> memref<128xf32, #tpu.memory_space<vmem>>
    %dma_start3A_201 = arith.constant 3712 : i32
    %dma_start3A_202 = tpu.memref_slice %arg9[%dma_start3A_201] : memref<4096xi32, #tpu.memory_space<vmem>> -> memref<128xi32, #tpu.memory_space<vmem>>
    %dma_start3A_203 = arith.constant 0 : i32
    %dma_start3A_204 = tpu.memref_slice %arg2[%dma_start3A_203] : memref<4194304xf32, #tpu.memory_space<hbm>> -> memref<4194304xf32, #tpu.memory_space<hbm>>
    tpu.enqueue_indirect_dma source(%dma_start3A_204 : memref<4194304xf32, #tpu.memory_space<hbm>>) target(%dma_start3A_200 : memref<128xf32, #tpu.memory_space<vmem>>) offsets(%dma_start3A_202 : memref<128xi32, #tpu.memory_space<vmem>>) semaphore(%arg20 : memref<!tpu.dma_semaphore, #tpu.memory_space<semaphore_mem>>)
    %dma_start3A_205 = arith.constant 3840 : i32
    %dma_start3A_206 = tpu.memref_slice %arg10[%dma_start3A_205] : memref<4096xf32, #tpu.memory_space<vmem>> -> memref<128xf32, #tpu.memory_space<vmem>>
    %dma_start3A_207 = arith.constant 3840 : i32
    %dma_start3A_208 = tpu.memref_slice %arg9[%dma_start3A_207] : memref<4096xi32, #tpu.memory_space<vmem>> -> memref<128xi32, #tpu.memory_space<vmem>>
    %dma_start3A_209 = arith.constant 0 : i32
    %dma_start3A_210 = tpu.memref_slice %arg2[%dma_start3A_209] : memref<4194304xf32, #tpu.memory_space<hbm>> -> memref<4194304xf32, #tpu.memory_space<hbm>>
    tpu.enqueue_indirect_dma source(%dma_start3A_210 : memref<4194304xf32, #tpu.memory_space<hbm>>) target(%dma_start3A_206 : memref<128xf32, #tpu.memory_space<vmem>>) offsets(%dma_start3A_208 : memref<128xi32, #tpu.memory_space<vmem>>) semaphore(%arg20 : memref<!tpu.dma_semaphore, #tpu.memory_space<semaphore_mem>>)
    %dma_start3A_211 = arith.constant 3968 : i32
    %dma_start3A_212 = tpu.memref_slice %arg10[%dma_start3A_211] : memref<4096xf32, #tpu.memory_space<vmem>> -> memref<128xf32, #tpu.memory_space<vmem>>
    %dma_start3A_213 = arith.constant 3968 : i32
    %dma_start3A_214 = tpu.memref_slice %arg9[%dma_start3A_213] : memref<4096xi32, #tpu.memory_space<vmem>> -> memref<128xi32, #tpu.memory_space<vmem>>
    %dma_start3A_215 = arith.constant 0 : i32
    %dma_start3A_216 = tpu.memref_slice %arg2[%dma_start3A_215] : memref<4194304xf32, #tpu.memory_space<hbm>> -> memref<4194304xf32, #tpu.memory_space<hbm>>
    tpu.enqueue_indirect_dma source(%dma_start3A_216 : memref<4194304xf32, #tpu.memory_space<hbm>>) target(%dma_start3A_212 : memref<128xf32, #tpu.memory_space<vmem>>) offsets(%dma_start3A_214 : memref<128xi32, #tpu.memory_space<vmem>>) semaphore(%arg20 : memref<!tpu.dma_semaphore, #tpu.memory_space<semaphore_mem>>)
    %broadcast_in_dim3A_217 = arith.constant 0.000000e+00 : f32
    %broadcast_in_dim3A_218 = vector.broadcast %broadcast_in_dim3A_217 : f32 to vector<16xf32>
    %parallel_loop3A_219 = arith.constant 0 : i32
    %parallel_loop3A_220 = arith.constant 256 : i32
    %parallel_loop3A_221 = arith.constant 1 : i32
    scf.for %parallel_loop3A_437 = %parallel_loop3A_219 to %parallel_loop3A_220 step %parallel_loop3A_221  : i32 {
      %parallel_loop3A_438 = arith.constant 16 : i32
      %parallel_loop3A_439 = arith.muli %parallel_loop3A_437, %parallel_loop3A_438 : i32
      %parallel_loop3A_440 = arith.index_cast %parallel_loop3A_439 : i32 to index
      %parallel_loop3A_441 = tpu.vector_load %arg12[%parallel_loop3A_440] {strides = array<i32>} : memref<4096xf32, #tpu.memory_space<vmem>>, vector<16xf32>,
      tpu.vector_store %arg12[%parallel_loop3A_440], %broadcast_in_dim3A_218 {strides = array<i32>} : memref<4096xf32, #tpu.memory_space<vmem>>, vector<16xf32>,
      %parallel_loop3A_442 = arith.constant 16 : i32
      %parallel_loop3A_443 = arith.muli %parallel_loop3A_437, %parallel_loop3A_442 : i32
      %parallel_loop3A_444 = arith.index_cast %parallel_loop3A_443 : i32 to index
      %parallel_loop3A_445 = tpu.vector_load %arg13[%parallel_loop3A_444] {strides = array<i32>} : memref<4096xf32, #tpu.memory_space<vmem>>, vector<16xf32>,
      tpu.vector_store %arg13[%parallel_loop3A_444], %broadcast_in_dim3A_218 {strides = array<i32>} : memref<4096xf32, #tpu.memory_space<vmem>>, vector<16xf32>,
    } {sc.loop_unroll_factor = 8 : i64, sc.parallel_access}
    %dma_wait3A_222 = arith.constant 0 : i32
    %dma_wait3A_223 = tpu.memref_slice %arg10[%dma_wait3A_222] : memref<4096xf32, #tpu.memory_space<vmem>> -> memref<128xf32, #tpu.memory_space<vmem>>
    %dma_wait3A_224 = arith.constant 0 : i32
    %dma_wait3A_225 = tpu.memref_slice %arg9[%dma_wait3A_224] : memref<4096xi32, #tpu.memory_space<vmem>> -> memref<128xi32, #tpu.memory_space<vmem>>
    %dma_wait3A_226 = arith.constant 0 : i32
    %dma_wait3A_227 = tpu.memref_slice %arg2[%dma_wait3A_226] : memref<4194304xf32, #tpu.memory_space<hbm>> -> memref<4194304xf32, #tpu.memory_space<hbm>>
    tpu.wait_indirect_dma semaphore(%arg20 : memref<!tpu.dma_semaphore, #tpu.memory_space<semaphore_mem>>) src(%dma_wait3A_227 : memref<4194304xf32, #tpu.memory_space<hbm>>) dst(%dma_wait3A_223 : memref<128xf32, #tpu.memory_space<vmem>>)
    %dma_wait3A_228 = arith.constant 128 : i32
    %dma_wait3A_229 = tpu.memref_slice %arg10[%dma_wait3A_228] : memref<4096xf32, #tpu.memory_space<vmem>> -> memref<128xf32, #tpu.memory_space<vmem>>
    %dma_wait3A_230 = arith.constant 128 : i32
    %dma_wait3A_231 = tpu.memref_slice %arg9[%dma_wait3A_230] : memref<4096xi32, #tpu.memory_space<vmem>> -> memref<128xi32, #tpu.memory_space<vmem>>
    %dma_wait3A_232 = arith.constant 0 : i32
    %dma_wait3A_233 = tpu.memref_slice %arg2[%dma_wait3A_232] : memref<4194304xf32, #tpu.memory_space<hbm>> -> memref<4194304xf32, #tpu.memory_space<hbm>>
    tpu.wait_indirect_dma semaphore(%arg20 : memref<!tpu.dma_semaphore, #tpu.memory_space<semaphore_mem>>) src(%dma_wait3A_233 : memref<4194304xf32, #tpu.memory_space<hbm>>) dst(%dma_wait3A_229 : memref<128xf32, #tpu.memory_space<vmem>>)
    %dma_wait3A_234 = arith.constant 256 : i32
    %dma_wait3A_235 = tpu.memref_slice %arg10[%dma_wait3A_234] : memref<4096xf32, #tpu.memory_space<vmem>> -> memref<128xf32, #tpu.memory_space<vmem>>
    %dma_wait3A_236 = arith.constant 256 : i32
    %dma_wait3A_237 = tpu.memref_slice %arg9[%dma_wait3A_236] : memref<4096xi32, #tpu.memory_space<vmem>> -> memref<128xi32, #tpu.memory_space<vmem>>
    %dma_wait3A_238 = arith.constant 0 : i32
    %dma_wait3A_239 = tpu.memref_slice %arg2[%dma_wait3A_238] : memref<4194304xf32, #tpu.memory_space<hbm>> -> memref<4194304xf32, #tpu.memory_space<hbm>>
    tpu.wait_indirect_dma semaphore(%arg20 : memref<!tpu.dma_semaphore, #tpu.memory_space<semaphore_mem>>) src(%dma_wait3A_239 : memref<4194304xf32, #tpu.memory_space<hbm>>) dst(%dma_wait3A_235 : memref<128xf32, #tpu.memory_space<vmem>>)
    %dma_wait3A_240 = arith.constant 384 : i32
    %dma_wait3A_241 = tpu.memref_slice %arg10[%dma_wait3A_240] : memref<4096xf32, #tpu.memory_space<vmem>> -> memref<128xf32, #tpu.memory_space<vmem>>
    %dma_wait3A_242 = arith.constant 384 : i32
    %dma_wait3A_243 = tpu.memref_slice %arg9[%dma_wait3A_242] : memref<4096xi32, #tpu.memory_space<vmem>> -> memref<128xi32, #tpu.memory_space<vmem>>
    %dma_wait3A_244 = arith.constant 0 : i32
    %dma_wait3A_245 = tpu.memref_slice %arg2[%dma_wait3A_244] : memref<4194304xf32, #tpu.memory_space<hbm>> -> memref<4194304xf32, #tpu.memory_space<hbm>>
    tpu.wait_indirect_dma semaphore(%arg20 : memref<!tpu.dma_semaphore, #tpu.memory_space<semaphore_mem>>) src(%dma_wait3A_245 : memref<4194304xf32, #tpu.memory_space<hbm>>) dst(%dma_wait3A_241 : memref<128xf32, #tpu.memory_space<vmem>>)
    %dma_wait3A_246 = arith.constant 512 : i32
    %dma_wait3A_247 = tpu.memref_slice %arg10[%dma_wait3A_246] : memref<4096xf32, #tpu.memory_space<vmem>> -> memref<128xf32, #tpu.memory_space<vmem>>
    %dma_wait3A_248 = arith.constant 512 : i32
    %dma_wait3A_249 = tpu.memref_slice %arg9[%dma_wait3A_248] : memref<4096xi32, #tpu.memory_space<vmem>> -> memref<128xi32, #tpu.memory_space<vmem>>
    %dma_wait3A_250 = arith.constant 0 : i32
    %dma_wait3A_251 = tpu.memref_slice %arg2[%dma_wait3A_250] : memref<4194304xf32, #tpu.memory_space<hbm>> -> memref<4194304xf32, #tpu.memory_space<hbm>>
    tpu.wait_indirect_dma semaphore(%arg20 : memref<!tpu.dma_semaphore, #tpu.memory_space<semaphore_mem>>) src(%dma_wait3A_251 : memref<4194304xf32, #tpu.memory_space<hbm>>) dst(%dma_wait3A_247 : memref<128xf32, #tpu.memory_space<vmem>>)
    %dma_wait3A_252 = arith.constant 640 : i32
    %dma_wait3A_253 = tpu.memref_slice %arg10[%dma_wait3A_252] : memref<4096xf32, #tpu.memory_space<vmem>> -> memref<128xf32, #tpu.memory_space<vmem>>
    %dma_wait3A_254 = arith.constant 640 : i32
    %dma_wait3A_255 = tpu.memref_slice %arg9[%dma_wait3A_254] : memref<4096xi32, #tpu.memory_space<vmem>> -> memref<128xi32, #tpu.memory_space<vmem>>
    %dma_wait3A_256 = arith.constant 0 : i32
    %dma_wait3A_257 = tpu.memref_slice %arg2[%dma_wait3A_256] : memref<4194304xf32, #tpu.memory_space<hbm>> -> memref<4194304xf32, #tpu.memory_space<hbm>>
    tpu.wait_indirect_dma semaphore(%arg20 : memref<!tpu.dma_semaphore, #tpu.memory_space<semaphore_mem>>) src(%dma_wait3A_257 : memref<4194304xf32, #tpu.memory_space<hbm>>) dst(%dma_wait3A_253 : memref<128xf32, #tpu.memory_space<vmem>>)
    %dma_wait3A_258 = arith.constant 768 : i32
    %dma_wait3A_259 = tpu.memref_slice %arg10[%dma_wait3A_258] : memref<4096xf32, #tpu.memory_space<vmem>> -> memref<128xf32, #tpu.memory_space<vmem>>
    %dma_wait3A_260 = arith.constant 768 : i32
    %dma_wait3A_261 = tpu.memref_slice %arg9[%dma_wait3A_260] : memref<4096xi32, #tpu.memory_space<vmem>> -> memref<128xi32, #tpu.memory_space<vmem>>
    %dma_wait3A_262 = arith.constant 0 : i32
    %dma_wait3A_263 = tpu.memref_slice %arg2[%dma_wait3A_262] : memref<4194304xf32, #tpu.memory_space<hbm>> -> memref<4194304xf32, #tpu.memory_space<hbm>>
    tpu.wait_indirect_dma semaphore(%arg20 : memref<!tpu.dma_semaphore, #tpu.memory_space<semaphore_mem>>) src(%dma_wait3A_263 : memref<4194304xf32, #tpu.memory_space<hbm>>) dst(%dma_wait3A_259 : memref<128xf32, #tpu.memory_space<vmem>>)
    %dma_wait3A_264 = arith.constant 896 : i32
    %dma_wait3A_265 = tpu.memref_slice %arg10[%dma_wait3A_264] : memref<4096xf32, #tpu.memory_space<vmem>> -> memref<128xf32, #tpu.memory_space<vmem>>
    %dma_wait3A_266 = arith.constant 896 : i32
    %dma_wait3A_267 = tpu.memref_slice %arg9[%dma_wait3A_266] : memref<4096xi32, #tpu.memory_space<vmem>> -> memref<128xi32, #tpu.memory_space<vmem>>
    %dma_wait3A_268 = arith.constant 0 : i32
    %dma_wait3A_269 = tpu.memref_slice %arg2[%dma_wait3A_268] : memref<4194304xf32, #tpu.memory_space<hbm>> -> memref<4194304xf32, #tpu.memory_space<hbm>>
    tpu.wait_indirect_dma semaphore(%arg20 : memref<!tpu.dma_semaphore, #tpu.memory_space<semaphore_mem>>) src(%dma_wait3A_269 : memref<4194304xf32, #tpu.memory_space<hbm>>) dst(%dma_wait3A_265 : memref<128xf32, #tpu.memory_space<vmem>>)
    %dma_wait3A_270 = arith.constant 1024 : i32
    %dma_wait3A_271 = tpu.memref_slice %arg10[%dma_wait3A_270] : memref<4096xf32, #tpu.memory_space<vmem>> -> memref<128xf32, #tpu.memory_space<vmem>>
    %dma_wait3A_272 = arith.constant 1024 : i32
    %dma_wait3A_273 = tpu.memref_slice %arg9[%dma_wait3A_272] : memref<4096xi32, #tpu.memory_space<vmem>> -> memref<128xi32, #tpu.memory_space<vmem>>
    %dma_wait3A_274 = arith.constant 0 : i32
    %dma_wait3A_275 = tpu.memref_slice %arg2[%dma_wait3A_274] : memref<4194304xf32, #tpu.memory_space<hbm>> -> memref<4194304xf32, #tpu.memory_space<hbm>>
    tpu.wait_indirect_dma semaphore(%arg20 : memref<!tpu.dma_semaphore, #tpu.memory_space<semaphore_mem>>) src(%dma_wait3A_275 : memref<4194304xf32, #tpu.memory_space<hbm>>) dst(%dma_wait3A_271 : memref<128xf32, #tpu.memory_space<vmem>>)
    %dma_wait3A_276 = arith.constant 1152 : i32
    %dma_wait3A_277 = tpu.memref_slice %arg10[%dma_wait3A_276] : memref<4096xf32, #tpu.memory_space<vmem>> -> memref<128xf32, #tpu.memory_space<vmem>>
    %dma_wait3A_278 = arith.constant 1152 : i32
    %dma_wait3A_279 = tpu.memref_slice %arg9[%dma_wait3A_278] : memref<4096xi32, #tpu.memory_space<vmem>> -> memref<128xi32, #tpu.memory_space<vmem>>
    %dma_wait3A_280 = arith.constant 0 : i32
    %dma_wait3A_281 = tpu.memref_slice %arg2[%dma_wait3A_280] : memref<4194304xf32, #tpu.memory_space<hbm>> -> memref<4194304xf32, #tpu.memory_space<hbm>>
    tpu.wait_indirect_dma semaphore(%arg20 : memref<!tpu.dma_semaphore, #tpu.memory_space<semaphore_mem>>) src(%dma_wait3A_281 : memref<4194304xf32, #tpu.memory_space<hbm>>) dst(%dma_wait3A_277 : memref<128xf32, #tpu.memory_space<vmem>>)
    %dma_wait3A_282 = arith.constant 1280 : i32
    %dma_wait3A_283 = tpu.memref_slice %arg10[%dma_wait3A_282] : memref<4096xf32, #tpu.memory_space<vmem>> -> memref<128xf32, #tpu.memory_space<vmem>>
    %dma_wait3A_284 = arith.constant 1280 : i32
    %dma_wait3A_285 = tpu.memref_slice %arg9[%dma_wait3A_284] : memref<4096xi32, #tpu.memory_space<vmem>> -> memref<128xi32, #tpu.memory_space<vmem>>
    %dma_wait3A_286 = arith.constant 0 : i32
    %dma_wait3A_287 = tpu.memref_slice %arg2[%dma_wait3A_286] : memref<4194304xf32, #tpu.memory_space<hbm>> -> memref<4194304xf32, #tpu.memory_space<hbm>>
    tpu.wait_indirect_dma semaphore(%arg20 : memref<!tpu.dma_semaphore, #tpu.memory_space<semaphore_mem>>) src(%dma_wait3A_287 : memref<4194304xf32, #tpu.memory_space<hbm>>) dst(%dma_wait3A_283 : memref<128xf32, #tpu.memory_space<vmem>>)
    %dma_wait3A_288 = arith.constant 1408 : i32
    %dma_wait3A_289 = tpu.memref_slice %arg10[%dma_wait3A_288] : memref<4096xf32, #tpu.memory_space<vmem>> -> memref<128xf32, #tpu.memory_space<vmem>>
    %dma_wait3A_290 = arith.constant 1408 : i32
    %dma_wait3A_291 = tpu.memref_slice %arg9[%dma_wait3A_290] : memref<4096xi32, #tpu.memory_space<vmem>> -> memref<128xi32, #tpu.memory_space<vmem>>
    %dma_wait3A_292 = arith.constant 0 : i32
    %dma_wait3A_293 = tpu.memref_slice %arg2[%dma_wait3A_292] : memref<4194304xf32, #tpu.memory_space<hbm>> -> memref<4194304xf32, #tpu.memory_space<hbm>>
    tpu.wait_indirect_dma semaphore(%arg20 : memref<!tpu.dma_semaphore, #tpu.memory_space<semaphore_mem>>) src(%dma_wait3A_293 : memref<4194304xf32, #tpu.memory_space<hbm>>) dst(%dma_wait3A_289 : memref<128xf32, #tpu.memory_space<vmem>>)
    %dma_wait3A_294 = arith.constant 1536 : i32
    %dma_wait3A_295 = tpu.memref_slice %arg10[%dma_wait3A_294] : memref<4096xf32, #tpu.memory_space<vmem>> -> memref<128xf32, #tpu.memory_space<vmem>>
    %dma_wait3A_296 = arith.constant 1536 : i32
    %dma_wait3A_297 = tpu.memref_slice %arg9[%dma_wait3A_296] : memref<4096xi32, #tpu.memory_space<vmem>> -> memref<128xi32, #tpu.memory_space<vmem>>
    %dma_wait3A_298 = arith.constant 0 : i32
    %dma_wait3A_299 = tpu.memref_slice %arg2[%dma_wait3A_298] : memref<4194304xf32, #tpu.memory_space<hbm>> -> memref<4194304xf32, #tpu.memory_space<hbm>>
    tpu.wait_indirect_dma semaphore(%arg20 : memref<!tpu.dma_semaphore, #tpu.memory_space<semaphore_mem>>) src(%dma_wait3A_299 : memref<4194304xf32, #tpu.memory_space<hbm>>) dst(%dma_wait3A_295 : memref<128xf32, #tpu.memory_space<vmem>>)
    %dma_wait3A_300 = arith.constant 1664 : i32
    %dma_wait3A_301 = tpu.memref_slice %arg10[%dma_wait3A_300] : memref<4096xf32, #tpu.memory_space<vmem>> -> memref<128xf32, #tpu.memory_space<vmem>>
    %dma_wait3A_302 = arith.constant 1664 : i32
    %dma_wait3A_303 = tpu.memref_slice %arg9[%dma_wait3A_302] : memref<4096xi32, #tpu.memory_space<vmem>> -> memref<128xi32, #tpu.memory_space<vmem>>
    %dma_wait3A_304 = arith.constant 0 : i32
    %dma_wait3A_305 = tpu.memref_slice %arg2[%dma_wait3A_304] : memref<4194304xf32, #tpu.memory_space<hbm>> -> memref<4194304xf32, #tpu.memory_space<hbm>>
    tpu.wait_indirect_dma semaphore(%arg20 : memref<!tpu.dma_semaphore, #tpu.memory_space<semaphore_mem>>) src(%dma_wait3A_305 : memref<4194304xf32, #tpu.memory_space<hbm>>) dst(%dma_wait3A_301 : memref<128xf32, #tpu.memory_space<vmem>>)
    %dma_wait3A_306 = arith.constant 1792 : i32
    %dma_wait3A_307 = tpu.memref_slice %arg10[%dma_wait3A_306] : memref<4096xf32, #tpu.memory_space<vmem>> -> memref<128xf32, #tpu.memory_space<vmem>>
    %dma_wait3A_308 = arith.constant 1792 : i32
    %dma_wait3A_309 = tpu.memref_slice %arg9[%dma_wait3A_308] : memref<4096xi32, #tpu.memory_space<vmem>> -> memref<128xi32, #tpu.memory_space<vmem>>
    %dma_wait3A_310 = arith.constant 0 : i32
    %dma_wait3A_311 = tpu.memref_slice %arg2[%dma_wait3A_310] : memref<4194304xf32, #tpu.memory_space<hbm>> -> memref<4194304xf32, #tpu.memory_space<hbm>>
    tpu.wait_indirect_dma semaphore(%arg20 : memref<!tpu.dma_semaphore, #tpu.memory_space<semaphore_mem>>) src(%dma_wait3A_311 : memref<4194304xf32, #tpu.memory_space<hbm>>) dst(%dma_wait3A_307 : memref<128xf32, #tpu.memory_space<vmem>>)
    %dma_wait3A_312 = arith.constant 1920 : i32
    %dma_wait3A_313 = tpu.memref_slice %arg10[%dma_wait3A_312] : memref<4096xf32, #tpu.memory_space<vmem>> -> memref<128xf32, #tpu.memory_space<vmem>>
    %dma_wait3A_314 = arith.constant 1920 : i32
    %dma_wait3A_315 = tpu.memref_slice %arg9[%dma_wait3A_314] : memref<4096xi32, #tpu.memory_space<vmem>> -> memref<128xi32, #tpu.memory_space<vmem>>
    %dma_wait3A_316 = arith.constant 0 : i32
    %dma_wait3A_317 = tpu.memref_slice %arg2[%dma_wait3A_316] : memref<4194304xf32, #tpu.memory_space<hbm>> -> memref<4194304xf32, #tpu.memory_space<hbm>>
    tpu.wait_indirect_dma semaphore(%arg20 : memref<!tpu.dma_semaphore, #tpu.memory_space<semaphore_mem>>) src(%dma_wait3A_317 : memref<4194304xf32, #tpu.memory_space<hbm>>) dst(%dma_wait3A_313 : memref<128xf32, #tpu.memory_space<vmem>>)
    %dma_wait3A_318 = arith.constant 2048 : i32
    %dma_wait3A_319 = tpu.memref_slice %arg10[%dma_wait3A_318] : memref<4096xf32, #tpu.memory_space<vmem>> -> memref<128xf32, #tpu.memory_space<vmem>>
    %dma_wait3A_320 = arith.constant 2048 : i32
    %dma_wait3A_321 = tpu.memref_slice %arg9[%dma_wait3A_320] : memref<4096xi32, #tpu.memory_space<vmem>> -> memref<128xi32, #tpu.memory_space<vmem>>
    %dma_wait3A_322 = arith.constant 0 : i32
    %dma_wait3A_323 = tpu.memref_slice %arg2[%dma_wait3A_322] : memref<4194304xf32, #tpu.memory_space<hbm>> -> memref<4194304xf32, #tpu.memory_space<hbm>>
    tpu.wait_indirect_dma semaphore(%arg20 : memref<!tpu.dma_semaphore, #tpu.memory_space<semaphore_mem>>) src(%dma_wait3A_323 : memref<4194304xf32, #tpu.memory_space<hbm>>) dst(%dma_wait3A_319 : memref<128xf32, #tpu.memory_space<vmem>>)
    %dma_wait3A_324 = arith.constant 2176 : i32
    %dma_wait3A_325 = tpu.memref_slice %arg10[%dma_wait3A_324] : memref<4096xf32, #tpu.memory_space<vmem>> -> memref<128xf32, #tpu.memory_space<vmem>>
    %dma_wait3A_326 = arith.constant 2176 : i32
    %dma_wait3A_327 = tpu.memref_slice %arg9[%dma_wait3A_326] : memref<4096xi32, #tpu.memory_space<vmem>> -> memref<128xi32, #tpu.memory_space<vmem>>
    %dma_wait3A_328 = arith.constant 0 : i32
    %dma_wait3A_329 = tpu.memref_slice %arg2[%dma_wait3A_328] : memref<4194304xf32, #tpu.memory_space<hbm>> -> memref<4194304xf32, #tpu.memory_space<hbm>>
    tpu.wait_indirect_dma semaphore(%arg20 : memref<!tpu.dma_semaphore, #tpu.memory_space<semaphore_mem>>) src(%dma_wait3A_329 : memref<4194304xf32, #tpu.memory_space<hbm>>) dst(%dma_wait3A_325 : memref<128xf32, #tpu.memory_space<vmem>>)
    %dma_wait3A_330 = arith.constant 2304 : i32
    %dma_wait3A_331 = tpu.memref_slice %arg10[%dma_wait3A_330] : memref<4096xf32, #tpu.memory_space<vmem>> -> memref<128xf32, #tpu.memory_space<vmem>>
    %dma_wait3A_332 = arith.constant 2304 : i32
    %dma_wait3A_333 = tpu.memref_slice %arg9[%dma_wait3A_332] : memref<4096xi32, #tpu.memory_space<vmem>> -> memref<128xi32, #tpu.memory_space<vmem>>
    %dma_wait3A_334 = arith.constant 0 : i32
    %dma_wait3A_335 = tpu.memref_slice %arg2[%dma_wait3A_334] : memref<4194304xf32, #tpu.memory_space<hbm>> -> memref<4194304xf32, #tpu.memory_space<hbm>>
    tpu.wait_indirect_dma semaphore(%arg20 : memref<!tpu.dma_semaphore, #tpu.memory_space<semaphore_mem>>) src(%dma_wait3A_335 : memref<4194304xf32, #tpu.memory_space<hbm>>) dst(%dma_wait3A_331 : memref<128xf32, #tpu.memory_space<vmem>>)
    %dma_wait3A_336 = arith.constant 2432 : i32
    %dma_wait3A_337 = tpu.memref_slice %arg10[%dma_wait3A_336] : memref<4096xf32, #tpu.memory_space<vmem>> -> memref<128xf32, #tpu.memory_space<vmem>>
    %dma_wait3A_338 = arith.constant 2432 : i32
    %dma_wait3A_339 = tpu.memref_slice %arg9[%dma_wait3A_338] : memref<4096xi32, #tpu.memory_space<vmem>> -> memref<128xi32, #tpu.memory_space<vmem>>
    %dma_wait3A_340 = arith.constant 0 : i32
    %dma_wait3A_341 = tpu.memref_slice %arg2[%dma_wait3A_340] : memref<4194304xf32, #tpu.memory_space<hbm>> -> memref<4194304xf32, #tpu.memory_space<hbm>>
    tpu.wait_indirect_dma semaphore(%arg20 : memref<!tpu.dma_semaphore, #tpu.memory_space<semaphore_mem>>) src(%dma_wait3A_341 : memref<4194304xf32, #tpu.memory_space<hbm>>) dst(%dma_wait3A_337 : memref<128xf32, #tpu.memory_space<vmem>>)
    %dma_wait3A_342 = arith.constant 2560 : i32
    %dma_wait3A_343 = tpu.memref_slice %arg10[%dma_wait3A_342] : memref<4096xf32, #tpu.memory_space<vmem>> -> memref<128xf32, #tpu.memory_space<vmem>>
    %dma_wait3A_344 = arith.constant 2560 : i32
    %dma_wait3A_345 = tpu.memref_slice %arg9[%dma_wait3A_344] : memref<4096xi32, #tpu.memory_space<vmem>> -> memref<128xi32, #tpu.memory_space<vmem>>
    %dma_wait3A_346 = arith.constant 0 : i32
    %dma_wait3A_347 = tpu.memref_slice %arg2[%dma_wait3A_346] : memref<4194304xf32, #tpu.memory_space<hbm>> -> memref<4194304xf32, #tpu.memory_space<hbm>>
    tpu.wait_indirect_dma semaphore(%arg20 : memref<!tpu.dma_semaphore, #tpu.memory_space<semaphore_mem>>) src(%dma_wait3A_347 : memref<4194304xf32, #tpu.memory_space<hbm>>) dst(%dma_wait3A_343 : memref<128xf32, #tpu.memory_space<vmem>>)
    %dma_wait3A_348 = arith.constant 2688 : i32
    %dma_wait3A_349 = tpu.memref_slice %arg10[%dma_wait3A_348] : memref<4096xf32, #tpu.memory_space<vmem>> -> memref<128xf32, #tpu.memory_space<vmem>>
    %dma_wait3A_350 = arith.constant 2688 : i32
    %dma_wait3A_351 = tpu.memref_slice %arg9[%dma_wait3A_350] : memref<4096xi32, #tpu.memory_space<vmem>> -> memref<128xi32, #tpu.memory_space<vmem>>
    %dma_wait3A_352 = arith.constant 0 : i32
    %dma_wait3A_353 = tpu.memref_slice %arg2[%dma_wait3A_352] : memref<4194304xf32, #tpu.memory_space<hbm>> -> memref<4194304xf32, #tpu.memory_space<hbm>>
    tpu.wait_indirect_dma semaphore(%arg20 : memref<!tpu.dma_semaphore, #tpu.memory_space<semaphore_mem>>) src(%dma_wait3A_353 : memref<4194304xf32, #tpu.memory_space<hbm>>) dst(%dma_wait3A_349 : memref<128xf32, #tpu.memory_space<vmem>>)
    %dma_wait3A_354 = arith.constant 2816 : i32
    %dma_wait3A_355 = tpu.memref_slice %arg10[%dma_wait3A_354] : memref<4096xf32, #tpu.memory_space<vmem>> -> memref<128xf32, #tpu.memory_space<vmem>>
    %dma_wait3A_356 = arith.constant 2816 : i32
    %dma_wait3A_357 = tpu.memref_slice %arg9[%dma_wait3A_356] : memref<4096xi32, #tpu.memory_space<vmem>> -> memref<128xi32, #tpu.memory_space<vmem>>
    %dma_wait3A_358 = arith.constant 0 : i32
    %dma_wait3A_359 = tpu.memref_slice %arg2[%dma_wait3A_358] : memref<4194304xf32, #tpu.memory_space<hbm>> -> memref<4194304xf32, #tpu.memory_space<hbm>>
    tpu.wait_indirect_dma semaphore(%arg20 : memref<!tpu.dma_semaphore, #tpu.memory_space<semaphore_mem>>) src(%dma_wait3A_359 : memref<4194304xf32, #tpu.memory_space<hbm>>) dst(%dma_wait3A_355 : memref<128xf32, #tpu.memory_space<vmem>>)
    %dma_wait3A_360 = arith.constant 2944 : i32
    %dma_wait3A_361 = tpu.memref_slice %arg10[%dma_wait3A_360] : memref<4096xf32, #tpu.memory_space<vmem>> -> memref<128xf32, #tpu.memory_space<vmem>>
    %dma_wait3A_362 = arith.constant 2944 : i32
    %dma_wait3A_363 = tpu.memref_slice %arg9[%dma_wait3A_362] : memref<4096xi32, #tpu.memory_space<vmem>> -> memref<128xi32, #tpu.memory_space<vmem>>
    %dma_wait3A_364 = arith.constant 0 : i32
    %dma_wait3A_365 = tpu.memref_slice %arg2[%dma_wait3A_364] : memref<4194304xf32, #tpu.memory_space<hbm>> -> memref<4194304xf32, #tpu.memory_space<hbm>>
    tpu.wait_indirect_dma semaphore(%arg20 : memref<!tpu.dma_semaphore, #tpu.memory_space<semaphore_mem>>) src(%dma_wait3A_365 : memref<4194304xf32, #tpu.memory_space<hbm>>) dst(%dma_wait3A_361 : memref<128xf32, #tpu.memory_space<vmem>>)
    %dma_wait3A_366 = arith.constant 3072 : i32
    %dma_wait3A_367 = tpu.memref_slice %arg10[%dma_wait3A_366] : memref<4096xf32, #tpu.memory_space<vmem>> -> memref<128xf32, #tpu.memory_space<vmem>>
    %dma_wait3A_368 = arith.constant 3072 : i32
    %dma_wait3A_369 = tpu.memref_slice %arg9[%dma_wait3A_368] : memref<4096xi32, #tpu.memory_space<vmem>> -> memref<128xi32, #tpu.memory_space<vmem>>
    %dma_wait3A_370 = arith.constant 0 : i32
    %dma_wait3A_371 = tpu.memref_slice %arg2[%dma_wait3A_370] : memref<4194304xf32, #tpu.memory_space<hbm>> -> memref<4194304xf32, #tpu.memory_space<hbm>>
    tpu.wait_indirect_dma semaphore(%arg20 : memref<!tpu.dma_semaphore, #tpu.memory_space<semaphore_mem>>) src(%dma_wait3A_371 : memref<4194304xf32, #tpu.memory_space<hbm>>) dst(%dma_wait3A_367 : memref<128xf32, #tpu.memory_space<vmem>>)
    %dma_wait3A_372 = arith.constant 3200 : i32
    %dma_wait3A_373 = tpu.memref_slice %arg10[%dma_wait3A_372] : memref<4096xf32, #tpu.memory_space<vmem>> -> memref<128xf32, #tpu.memory_space<vmem>>
    %dma_wait3A_374 = arith.constant 3200 : i32
    %dma_wait3A_375 = tpu.memref_slice %arg9[%dma_wait3A_374] : memref<4096xi32, #tpu.memory_space<vmem>> -> memref<128xi32, #tpu.memory_space<vmem>>
    %dma_wait3A_376 = arith.constant 0 : i32
    %dma_wait3A_377 = tpu.memref_slice %arg2[%dma_wait3A_376] : memref<4194304xf32, #tpu.memory_space<hbm>> -> memref<4194304xf32, #tpu.memory_space<hbm>>
    tpu.wait_indirect_dma semaphore(%arg20 : memref<!tpu.dma_semaphore, #tpu.memory_space<semaphore_mem>>) src(%dma_wait3A_377 : memref<4194304xf32, #tpu.memory_space<hbm>>) dst(%dma_wait3A_373 : memref<128xf32, #tpu.memory_space<vmem>>)
    %dma_wait3A_378 = arith.constant 3328 : i32
    %dma_wait3A_379 = tpu.memref_slice %arg10[%dma_wait3A_378] : memref<4096xf32, #tpu.memory_space<vmem>> -> memref<128xf32, #tpu.memory_space<vmem>>
    %dma_wait3A_380 = arith.constant 3328 : i32
    %dma_wait3A_381 = tpu.memref_slice %arg9[%dma_wait3A_380] : memref<4096xi32, #tpu.memory_space<vmem>> -> memref<128xi32, #tpu.memory_space<vmem>>
    %dma_wait3A_382 = arith.constant 0 : i32
    %dma_wait3A_383 = tpu.memref_slice %arg2[%dma_wait3A_382] : memref<4194304xf32, #tpu.memory_space<hbm>> -> memref<4194304xf32, #tpu.memory_space<hbm>>
    tpu.wait_indirect_dma semaphore(%arg20 : memref<!tpu.dma_semaphore, #tpu.memory_space<semaphore_mem>>) src(%dma_wait3A_383 : memref<4194304xf32, #tpu.memory_space<hbm>>) dst(%dma_wait3A_379 : memref<128xf32, #tpu.memory_space<vmem>>)
    %dma_wait3A_384 = arith.constant 3456 : i32
    %dma_wait3A_385 = tpu.memref_slice %arg10[%dma_wait3A_384] : memref<4096xf32, #tpu.memory_space<vmem>> -> memref<128xf32, #tpu.memory_space<vmem>>
    %dma_wait3A_386 = arith.constant 3456 : i32
    %dma_wait3A_387 = tpu.memref_slice %arg9[%dma_wait3A_386] : memref<4096xi32, #tpu.memory_space<vmem>> -> memref<128xi32, #tpu.memory_space<vmem>>
    %dma_wait3A_388 = arith.constant 0 : i32
    %dma_wait3A_389 = tpu.memref_slice %arg2[%dma_wait3A_388] : memref<4194304xf32, #tpu.memory_space<hbm>> -> memref<4194304xf32, #tpu.memory_space<hbm>>
    tpu.wait_indirect_dma semaphore(%arg20 : memref<!tpu.dma_semaphore, #tpu.memory_space<semaphore_mem>>) src(%dma_wait3A_389 : memref<4194304xf32, #tpu.memory_space<hbm>>) dst(%dma_wait3A_385 : memref<128xf32, #tpu.memory_space<vmem>>)
    %dma_wait3A_390 = arith.constant 3584 : i32
    %dma_wait3A_391 = tpu.memref_slice %arg10[%dma_wait3A_390] : memref<4096xf32, #tpu.memory_space<vmem>> -> memref<128xf32, #tpu.memory_space<vmem>>
    %dma_wait3A_392 = arith.constant 3584 : i32
    %dma_wait3A_393 = tpu.memref_slice %arg9[%dma_wait3A_392] : memref<4096xi32, #tpu.memory_space<vmem>> -> memref<128xi32, #tpu.memory_space<vmem>>
    %dma_wait3A_394 = arith.constant 0 : i32
    %dma_wait3A_395 = tpu.memref_slice %arg2[%dma_wait3A_394] : memref<4194304xf32, #tpu.memory_space<hbm>> -> memref<4194304xf32, #tpu.memory_space<hbm>>
    tpu.wait_indirect_dma semaphore(%arg20 : memref<!tpu.dma_semaphore, #tpu.memory_space<semaphore_mem>>) src(%dma_wait3A_395 : memref<4194304xf32, #tpu.memory_space<hbm>>) dst(%dma_wait3A_391 : memref<128xf32, #tpu.memory_space<vmem>>)
    %dma_wait3A_396 = arith.constant 3712 : i32
    %dma_wait3A_397 = tpu.memref_slice %arg10[%dma_wait3A_396] : memref<4096xf32, #tpu.memory_space<vmem>> -> memref<128xf32, #tpu.memory_space<vmem>>
    %dma_wait3A_398 = arith.constant 3712 : i32
    %dma_wait3A_399 = tpu.memref_slice %arg9[%dma_wait3A_398] : memref<4096xi32, #tpu.memory_space<vmem>> -> memref<128xi32, #tpu.memory_space<vmem>>
    %dma_wait3A_400 = arith.constant 0 : i32
    %dma_wait3A_401 = tpu.memref_slice %arg2[%dma_wait3A_400] : memref<4194304xf32, #tpu.memory_space<hbm>> -> memref<4194304xf32, #tpu.memory_space<hbm>>
    tpu.wait_indirect_dma semaphore(%arg20 : memref<!tpu.dma_semaphore, #tpu.memory_space<semaphore_mem>>) src(%dma_wait3A_401 : memref<4194304xf32, #tpu.memory_space<hbm>>) dst(%dma_wait3A_397 : memref<128xf32, #tpu.memory_space<vmem>>)
    %dma_wait3A_402 = arith.constant 3840 : i32
    %dma_wait3A_403 = tpu.memref_slice %arg10[%dma_wait3A_402] : memref<4096xf32, #tpu.memory_space<vmem>> -> memref<128xf32, #tpu.memory_space<vmem>>
    %dma_wait3A_404 = arith.constant 3840 : i32
    %dma_wait3A_405 = tpu.memref_slice %arg9[%dma_wait3A_404] : memref<4096xi32, #tpu.memory_space<vmem>> -> memref<128xi32, #tpu.memory_space<vmem>>
    %dma_wait3A_406 = arith.constant 0 : i32
    %dma_wait3A_407 = tpu.memref_slice %arg2[%dma_wait3A_406] : memref<4194304xf32, #tpu.memory_space<hbm>> -> memref<4194304xf32, #tpu.memory_space<hbm>>
    tpu.wait_indirect_dma semaphore(%arg20 : memref<!tpu.dma_semaphore, #tpu.memory_space<semaphore_mem>>) src(%dma_wait3A_407 : memref<4194304xf32, #tpu.memory_space<hbm>>) dst(%dma_wait3A_403 : memref<128xf32, #tpu.memory_space<vmem>>)
    %dma_wait3A_408 = arith.constant 3968 : i32
    %dma_wait3A_409 = tpu.memref_slice %arg10[%dma_wait3A_408] : memref<4096xf32, #tpu.memory_space<vmem>> -> memref<128xf32, #tpu.memory_space<vmem>>
    %dma_wait3A_410 = arith.constant 3968 : i32
    %dma_wait3A_411 = tpu.memref_slice %arg9[%dma_wait3A_410] : memref<4096xi32, #tpu.memory_space<vmem>> -> memref<128xi32, #tpu.memory_space<vmem>>
    %dma_wait3A_412 = arith.constant 0 : i32
    %dma_wait3A_413 = tpu.memref_slice %arg2[%dma_wait3A_412] : memref<4194304xf32, #tpu.memory_space<hbm>> -> memref<4194304xf32, #tpu.memory_space<hbm>>
    tpu.wait_indirect_dma semaphore(%arg20 : memref<!tpu.dma_semaphore, #tpu.memory_space<semaphore_mem>>) src(%dma_wait3A_413 : memref<4194304xf32, #tpu.memory_space<hbm>>) dst(%dma_wait3A_409 : memref<128xf32, #tpu.memory_space<vmem>>)
    %parallel_loop3A_414 = arith.constant 0 : i32
    %parallel_loop3A_415 = arith.constant 256 : i32
    %parallel_loop3A_416 = arith.constant 1 : i32
    scf.for %parallel_loop3A_437 = %parallel_loop3A_414 to %parallel_loop3A_415 step %parallel_loop3A_416  : i32 {
      %parallel_loop3A_438 = arith.constant 16 : i32
      %parallel_loop3A_439 = arith.muli %parallel_loop3A_437, %parallel_loop3A_438 : i32
      %parallel_loop3A_440 = arith.index_cast %parallel_loop3A_439 : i32 to index
      %parallel_loop3A_441 = tpu.vector_load %arg10[%parallel_loop3A_440] {strides = array<i32>} : memref<4096xf32, #tpu.memory_space<vmem>>, vector<16xf32>,
      %parallel_loop3A_442 = math.exp %parallel_loop3A_441 : vector<16xf32>
      %parallel_loop3A_443 = arith.mulf %parallel_loop3A_442, %parallel_loop3A_441 : vector<16xf32>
      %parallel_loop3A_444 = arith.constant true
      %parallel_loop3A_445 = vector.broadcast %parallel_loop3A_444 : i1 to vector<16xi1>
      %parallel_loop3A_446 = tpu.scan <sum>, %parallel_loop3A_442 masked %parallel_loop3A_445 : vector<16xf32>, vector<16xi1> -> vector<16xf32>
      %parallel_loop3A_447 = arith.constant true
      %parallel_loop3A_448 = vector.broadcast %parallel_loop3A_447 : i1 to vector<16xi1>
      %parallel_loop3A_449 = tpu.scan <sum>, %parallel_loop3A_443 masked %parallel_loop3A_448 : vector<16xf32>, vector<16xi1> -> vector<16xf32>
      %parallel_loop3A_450 = arith.constant 16 : i32
      %parallel_loop3A_451 = arith.muli %parallel_loop3A_437, %parallel_loop3A_450 : i32
      %parallel_loop3A_452 = arith.index_cast %parallel_loop3A_451 : i32 to index
      %parallel_loop3A_453 = tpu.vector_load %arg14[%parallel_loop3A_452] {strides = array<i32>} : memref<4096xf32, #tpu.memory_space<vmem>>, vector<16xf32>,
      tpu.vector_store %arg14[%parallel_loop3A_452], %parallel_loop3A_446 {strides = array<i32>} : memref<4096xf32, #tpu.memory_space<vmem>>, vector<16xf32>,
      %parallel_loop3A_454 = arith.subf %parallel_loop3A_446, %parallel_loop3A_442 : vector<16xf32>
      %parallel_loop3A_455 = arith.constant 16 : i32
      %parallel_loop3A_456 = arith.muli %parallel_loop3A_437, %parallel_loop3A_455 : i32
      %parallel_loop3A_457 = arith.index_cast %parallel_loop3A_456 : i32 to index
      %parallel_loop3A_458 = tpu.vector_load %arg15[%parallel_loop3A_457] {strides = array<i32>} : memref<4096xf32, #tpu.memory_space<vmem>>, vector<16xf32>,
      tpu.vector_store %arg15[%parallel_loop3A_457], %parallel_loop3A_454 {strides = array<i32>} : memref<4096xf32, #tpu.memory_space<vmem>>, vector<16xf32>,
      %parallel_loop3A_459 = arith.constant 16 : i32
      %parallel_loop3A_460 = arith.muli %parallel_loop3A_437, %parallel_loop3A_459 : i32
      %parallel_loop3A_461 = arith.index_cast %parallel_loop3A_460 : i32 to index
      %parallel_loop3A_462 = tpu.vector_load %arg16[%parallel_loop3A_461] {strides = array<i32>} : memref<4096xf32, #tpu.memory_space<vmem>>, vector<16xf32>,
      tpu.vector_store %arg16[%parallel_loop3A_461], %parallel_loop3A_449 {strides = array<i32>} : memref<4096xf32, #tpu.memory_space<vmem>>, vector<16xf32>,
      %parallel_loop3A_463 = arith.subf %parallel_loop3A_449, %parallel_loop3A_443 : vector<16xf32>
      %parallel_loop3A_464 = arith.constant 16 : i32
      %parallel_loop3A_465 = arith.muli %parallel_loop3A_437, %parallel_loop3A_464 : i32
      %parallel_loop3A_466 = arith.index_cast %parallel_loop3A_465 : i32 to index
      %parallel_loop3A_467 = tpu.vector_load %arg17[%parallel_loop3A_466] {strides = array<i32>} : memref<4096xf32, #tpu.memory_space<vmem>>, vector<16xf32>,
      tpu.vector_store %arg17[%parallel_loop3A_466], %parallel_loop3A_463 {strides = array<i32>} : memref<4096xf32, #tpu.memory_space<vmem>>, vector<16xf32>,
    } {sc.loop_unroll_factor = 4 : i64, sc.parallel_access}
    %iota3A = tpu.iota {dimensions = array<i32: 0>} : vector<16xi32>
    %scan3A = arith.constant 0.000000e+00 : f32
    %scan3A_417 = arith.constant 0.000000e+00 : f32
    %scan3A_418 = arith.constant 0 : i32
    %scan3A_419 = arith.constant 16 : i32
    %scan3A_420 = arith.addi %scan3A_418, %scan3A_419 : i32
    %scan3A_421 = arith.constant 1 : i32
    %scan3A_422:2 = scf.for %scan3A_437 = %scan3A_418 to %scan3A_420 step %scan3A_421 iter_args(%scan3A_438 = %scan3A, %scan3A_439 = %scan3A_417) -> (f32, f32)  : i32 {
      %mul3A_440 = arith.constant 16 : i32
      %mul3A_441 = vector.broadcast %mul3A_440 : i32 to vector<16xi32>
      %mul3A_442 = arith.muli %iota3A, %mul3A_441 : vector<16xi32>
      %mul3A_443 = arith.constant 256 : i32
      %mul3A_444 = arith.muli %mul3A_443, %scan3A_437 : i32
      %add3A_445 = arith.constant 15 : i32
      %add3A_446 = arith.addi %add3A_445, %mul3A_444 : i32
      %add3A_447 = vector.broadcast %add3A_446 : i32 to vector<16xi32>
      %add3A_448 = arith.addi %mul3A_442, %add3A_447 : vector<16xi32>
      %gather3A = tpu.vector_load_idx %arg14[%add3A_448] : memref<4096xf32, #tpu.memory_space<vmem>>[vector<16xi32>], vector<16xf32>,
      %gather3A_449 = tpu.vector_load_idx %arg16[%add3A_448] : memref<4096xf32, #tpu.memory_space<vmem>>[vector<16xi32>], vector<16xf32>,
      %broadcast_in_dim3A_450 = arith.constant true
      %broadcast_in_dim3A_451 = vector.broadcast %broadcast_in_dim3A_450 : i1 to vector<16xi1>
      %masked_cumsum3A = tpu.scan <sum>, %gather3A masked %broadcast_in_dim3A_451 : vector<16xf32>, vector<16xi1> -> vector<16xf32>
      %add3A_452 = vector.broadcast %scan3A_438 : f32 to vector<16xf32>
      %add3A_453 = arith.addf %masked_cumsum3A, %add3A_452 : vector<16xf32>
      %broadcast_in_dim3A_454 = arith.constant true
      %broadcast_in_dim3A_455 = vector.broadcast %broadcast_in_dim3A_454 : i1 to vector<16xi1>
      %masked_cumsum3A_456 = tpu.scan <sum>, %gather3A_449 masked %broadcast_in_dim3A_455 : vector<16xf32>, vector<16xi1> -> vector<16xf32>
      %add3A_457 = vector.broadcast %scan3A_439 : f32 to vector<16xf32>
      %add3A_458 = arith.addf %masked_cumsum3A_456, %add3A_457 : vector<16xf32>
      %sub3A = arith.subf %add3A_453, %gather3A : vector<16xf32>
      %mul3A_459 = arith.constant 16 : i32
      %mul3A_460 = arith.muli %scan3A_437, %mul3A_459 : i32
      %swap3A_461 = arith.index_cast %mul3A_460 : i32 to index
      %swap3A_462 = tpu.vector_load %arg18[%swap3A_461] {strides = array<i32>} : memref<256xf32, #tpu.memory_space<vmem>>, vector<16xf32>,
      tpu.vector_store %arg18[%swap3A_461], %sub3A {strides = array<i32>} : memref<256xf32, #tpu.memory_space<vmem>>, vector<16xf32>,
      %sub3A_463 = arith.subf %add3A_458, %gather3A_449 : vector<16xf32>
      %mul3A_464 = arith.constant 16 : i32
      %mul3A_465 = arith.muli %scan3A_437, %mul3A_464 : i32
      %swap3A_466 = arith.index_cast %mul3A_465 : i32 to index
      %swap3A_467 = tpu.vector_load %arg19[%swap3A_466] {strides = array<i32>} : memref<256xf32, #tpu.memory_space<vmem>>, vector<16xf32>,
      tpu.vector_store %arg19[%swap3A_466], %sub3A_463 {strides = array<i32>} : memref<256xf32, #tpu.memory_space<vmem>>, vector<16xf32>,
      %slice3A = vector.extract_strided_slice %add3A_453 {offsets = [15], sizes = [1], strides = [1]} : vector<16xf32> to vector<1xf32>
      %squeeze3A = vector.extract %slice3A[0] : f32 from vector<1xf32>
      %slice3A_468 = vector.extract_strided_slice %add3A_458 {offsets = [15], sizes = [1], strides = [1]} : vector<16xf32> to vector<1xf32>
      %squeeze3A_469 = vector.extract %slice3A_468[0] : f32 from vector<1xf32>
      scf.yield %squeeze3A, %squeeze3A_469 : f32, f32
    }
    %scan3A_423 = arith.constant 16 : i32
    %parallel_loop3A_424 = arith.constant 0 : i32
    %parallel_loop3A_425 = arith.constant 256 : i32
    %parallel_loop3A_426 = arith.constant 1 : i32
    scf.for %parallel_loop3A_437 = %parallel_loop3A_424 to %parallel_loop3A_425 step %parallel_loop3A_426  : i32 {
      %parallel_loop3A_438 = arith.constant 16 : i32
      %parallel_loop3A_439 = arith.muli %parallel_loop3A_437, %parallel_loop3A_438 : i32
      %parallel_loop3A_440 = arith.constant 16 : i32
      %parallel_loop3A_441 = arith.addi %parallel_loop3A_440, %parallel_loop3A_439 : i32
      %parallel_loop3A_442 = arith.index_cast %parallel_loop3A_441 : i32 to index
      %parallel_loop3A_443 = tpu.vector_load %arg7[%parallel_loop3A_442] {strides = array<i32>} : memref<4128xi32, #tpu.memory_space<vmem>>, vector<16xi32>,
      %parallel_loop3A_444 = arith.constant 16 : i32
      %parallel_loop3A_445 = arith.muli %parallel_loop3A_437, %parallel_loop3A_444 : i32
      %parallel_loop3A_446 = arith.constant 15 : i32
      %parallel_loop3A_447 = arith.addi %parallel_loop3A_446, %parallel_loop3A_445 : i32
      %parallel_loop3A_448 = vector.broadcast %parallel_loop3A_447 : i32 to vector<16xi32>
      %parallel_loop3A_449 = arith.addi %iota3A, %parallel_loop3A_448 : vector<16xi32>
      %parallel_loop3A_450 = tpu.vector_load_idx %arg7[%parallel_loop3A_449] : memref<4128xi32, #tpu.memory_space<vmem>>[vector<16xi32>], vector<16xi32>,
      %parallel_loop3A_451 = arith.constant 16 : i32
      %parallel_loop3A_452 = arith.muli %parallel_loop3A_437, %parallel_loop3A_451 : i32
      %parallel_loop3A_453 = arith.constant 17 : i32
      %parallel_loop3A_454 = arith.addi %parallel_loop3A_453, %parallel_loop3A_452 : i32
      %parallel_loop3A_455 = vector.broadcast %parallel_loop3A_454 : i32 to vector<16xi32>
      %parallel_loop3A_456 = arith.addi %iota3A, %parallel_loop3A_455 : vector<16xi32>
      %parallel_loop3A_457 = tpu.vector_load_idx %arg7[%parallel_loop3A_456] : memref<4128xi32, #tpu.memory_space<vmem>>[vector<16xi32>], vector<16xi32>,
      %parallel_loop3A_458 = arith.constant 0 : i32
      %parallel_loop3A_459 = vector.broadcast %parallel_loop3A_458 : i32 to vector<16xi32>
      %parallel_loop3A_460 = vector.broadcast %parallel_loop3A_437 : i32 to vector<16xi32>
      %parallel_loop3A_461 = arith.addi %parallel_loop3A_459, %parallel_loop3A_460 : vector<16xi32>
      %parallel_loop3A_462 = tpu.vector_load_idx %arg18[%parallel_loop3A_461] : memref<256xf32, #tpu.memory_space<vmem>>[vector<16xi32>], vector<16xf32>,
      %parallel_loop3A_463 = tpu.vector_load_idx %arg19[%parallel_loop3A_461] : memref<256xf32, #tpu.memory_space<vmem>>[vector<16xi32>], vector<16xf32>,
      %parallel_loop3A_464 = arith.constant 16 : i32
      %parallel_loop3A_465 = arith.muli %parallel_loop3A_437, %parallel_loop3A_464 : i32
      %parallel_loop3A_466 = arith.index_cast %parallel_loop3A_465 : i32 to index
      %parallel_loop3A_467 = tpu.vector_load %arg14[%parallel_loop3A_466] {strides = array<i32>} : memref<4096xf32, #tpu.memory_space<vmem>>, vector<16xf32>,
      %parallel_loop3A_468 = arith.addf %parallel_loop3A_467, %parallel_loop3A_462 : vector<16xf32>
      %parallel_loop3A_469 = arith.constant 16 : i32
      %parallel_loop3A_470 = arith.muli %parallel_loop3A_437, %parallel_loop3A_469 : i32
      %parallel_loop3A_471 = arith.index_cast %parallel_loop3A_470 : i32 to index
      %parallel_loop3A_472 = tpu.vector_load %arg15[%parallel_loop3A_471] {strides = array<i32>} : memref<4096xf32, #tpu.memory_space<vmem>>, vector<16xf32>,
      %parallel_loop3A_473 = arith.addf %parallel_loop3A_472, %parallel_loop3A_462 : vector<16xf32>
      %parallel_loop3A_474 = arith.constant 16 : i32
      %parallel_loop3A_475 = arith.muli %parallel_loop3A_437, %parallel_loop3A_474 : i32
      %parallel_loop3A_476 = arith.index_cast %parallel_loop3A_475 : i32 to index
      %parallel_loop3A_477 = tpu.vector_load %arg16[%parallel_loop3A_476] {strides = array<i32>} : memref<4096xf32, #tpu.memory_space<vmem>>, vector<16xf32>,
      %parallel_loop3A_478 = arith.addf %parallel_loop3A_477, %parallel_loop3A_463 : vector<16xf32>
      %parallel_loop3A_479 = arith.constant 16 : i32
      %parallel_loop3A_480 = arith.muli %parallel_loop3A_437, %parallel_loop3A_479 : i32
      %parallel_loop3A_481 = arith.index_cast %parallel_loop3A_480 : i32 to index
      %parallel_loop3A_482 = tpu.vector_load %arg17[%parallel_loop3A_481] {strides = array<i32>} : memref<4096xf32, #tpu.memory_space<vmem>>, vector<16xf32>,
      %parallel_loop3A_483 = arith.addf %parallel_loop3A_482, %parallel_loop3A_463 : vector<16xf32>
      %parallel_loop3A_484 = arith.cmpi ne, %parallel_loop3A_443, %parallel_loop3A_450 : vector<16xi32>
      %parallel_loop3A_485 = arith.cmpi ne, %parallel_loop3A_443, %parallel_loop3A_457 : vector<16xi32>
      %parallel_loop3A_486 = arith.constant 0.000000e+00 : f32
      %parallel_loop3A_487 = vector.broadcast %parallel_loop3A_486 : f32 to vector<16xf32>
      %parallel_loop3A_488 = arith.select %parallel_loop3A_485, %parallel_loop3A_468, %parallel_loop3A_487 : vector<16xi1>, vector<16xf32>
      %parallel_loop3A_489 = arith.constant 0.000000e+00 : f32
      %parallel_loop3A_490 = vector.broadcast %parallel_loop3A_489 : f32 to vector<16xf32>
      %parallel_loop3A_491 = arith.select %parallel_loop3A_484, %parallel_loop3A_473, %parallel_loop3A_490 : vector<16xi1>, vector<16xf32>
      %parallel_loop3A_492 = arith.subf %parallel_loop3A_488, %parallel_loop3A_491 : vector<16xf32>
      %parallel_loop3A_493 = arith.constant 0.000000e+00 : f32
      %parallel_loop3A_494 = vector.broadcast %parallel_loop3A_493 : f32 to vector<16xf32>
      %parallel_loop3A_495 = arith.select %parallel_loop3A_485, %parallel_loop3A_478, %parallel_loop3A_494 : vector<16xi1>, vector<16xf32>
      %parallel_loop3A_496 = arith.constant 0.000000e+00 : f32
      %parallel_loop3A_497 = vector.broadcast %parallel_loop3A_496 : f32 to vector<16xf32>
      %parallel_loop3A_498 = arith.select %parallel_loop3A_484, %parallel_loop3A_483, %parallel_loop3A_497 : vector<16xi1>, vector<16xf32>
      %parallel_loop3A_499 = arith.subf %parallel_loop3A_495, %parallel_loop3A_498 : vector<16xf32>
      %parallel_loop3A_500 = arith.ori %parallel_loop3A_484, %parallel_loop3A_485 : vector<16xi1>
      tpu.vector_store_idx %arg12[%parallel_loop3A_443], %parallel_loop3A_492 masked %parallel_loop3A_500 {add = true} : memref<4096xf32, #tpu.memory_space<vmem>>[vector<16xi32>], vector<16xf32>, vector<16xi1>
      tpu.vector_store_idx %arg13[%parallel_loop3A_443], %parallel_loop3A_499 masked %parallel_loop3A_500 {add = true} : memref<4096xf32, #tpu.memory_space<vmem>>[vector<16xi32>], vector<16xf32>, vector<16xi1>
    } {sc.loop_unroll_factor = 4 : i64, sc.parallel_access}
    %mul3A_427 = arith.constant 2 : i32
    %mul3A_428 = arith.muli %add3A, %mul3A_427 : i32
    %mul3A_429 = arith.constant 4096 : i32
    %mul3A_430 = arith.muli %mul3A_428, %mul3A_429 : i32
    "tpu.region"() ({
      %run_scoped3A = tpu.sem_alloc : memref<!tpu.dma_semaphore, #tpu.memory_space<semaphore_mem>>
      %dma_start3A_437 = tpu.memref_slice %arg6[%mul3A_430] : memref<262144xf32, #tpu.memory_space<hbm>> -> memref<4096xf32, #tpu.memory_space<hbm>>
      %dma_start3A_438 = tpu.memref_slice %arg6[%mul3A_430] : memref<262144xf32, #tpu.memory_space<hbm>> -> memref<4096xf32, #tpu.memory_space<hbm>>
      tpu.enqueue_dma source(%arg12 : memref<4096xf32, #tpu.memory_space<vmem>>) target(%dma_start3A_438 : memref<4096xf32, #tpu.memory_space<hbm>>) target_semaphore(%run_scoped3A : memref<!tpu.dma_semaphore, #tpu.memory_space<semaphore_mem>>)
      %dma_wait3A_439 = tpu.memref_slice %arg6[%mul3A_430] : memref<262144xf32, #tpu.memory_space<hbm>> -> memref<4096xf32, #tpu.memory_space<hbm>>
      %dma_wait3A_440 = tpu.memref_slice %arg6[%mul3A_430] : memref<262144xf32, #tpu.memory_space<hbm>> -> memref<4096xf32, #tpu.memory_space<hbm>>
      tpu.wait_dma2 semaphore(%run_scoped3A : memref<!tpu.dma_semaphore, #tpu.memory_space<semaphore_mem>>) src(%arg12 : memref<4096xf32, #tpu.memory_space<vmem>>) dst(%dma_wait3A_440 : memref<4096xf32, #tpu.memory_space<hbm>>)
      tpu.yield
    }) : () -> ()
    %mul3A_431 = arith.constant 2 : i32
    %mul3A_432 = arith.muli %add3A, %mul3A_431 : i32
    %mul3A_433 = arith.constant 4096 : i32
    %mul3A_434 = arith.muli %mul3A_432, %mul3A_433 : i32
    %add3A_435 = arith.constant 4096 : i32
    %add3A_436 = arith.addi %mul3A_434, %add3A_435 : i32
    "tpu.region"() ({
      %run_scoped3A = tpu.sem_alloc : memref<!tpu.dma_semaphore, #tpu.memory_space<semaphore_mem>>
      %dma_start3A_437 = tpu.memref_slice %arg6[%add3A_436] : memref<262144xf32, #tpu.memory_space<hbm>> -> memref<4096xf32, #tpu.memory_space<hbm>>
      %dma_start3A_438 = tpu.memref_slice %arg6[%add3A_436] : memref<262144xf32, #tpu.memory_space<hbm>> -> memref<4096xf32, #tpu.memory_space<hbm>>
      tpu.enqueue_dma source(%arg13 : memref<4096xf32, #tpu.memory_space<vmem>>) target(%dma_start3A_438 : memref<4096xf32, #tpu.memory_space<hbm>>) target_semaphore(%run_scoped3A : memref<!tpu.dma_semaphore, #tpu.memory_space<semaphore_mem>>)
      %dma_wait3A_439 = tpu.memref_slice %arg6[%add3A_436] : memref<262144xf32, #tpu.memory_space<hbm>> -> memref<4096xf32, #tpu.memory_space<hbm>>
      %dma_wait3A_440 = tpu.memref_slice %arg6[%add3A_436] : memref<262144xf32, #tpu.memory_space<hbm>> -> memref<4096xf32, #tpu.memory_space<hbm>>
      tpu.wait_dma2 semaphore(%run_scoped3A : memref<!tpu.dma_semaphore, #tpu.memory_space<semaphore_mem>>) src(%arg13 : memref<4096xf32, #tpu.memory_space<vmem>>) dst(%dma_wait3A_440 : memref<4096xf32, #tpu.memory_space<hbm>>)
      tpu.yield
    }) : () -> ()
    return
  }
}

module attributes {stable_mosaic.version = 14 : i64} {
  func.func @_combine_body(%arg0: memref<2048x128xf32, #tpu.memory_space<vmem>>, %arg1: memref<32x128xf32, #tpu.memory_space<vmem>>) attributes {dimension_semantics = [], scalar_prefetch = 0 : i64, scratch_operands = 0 : i64, tpu.core_type = #tpu.core_type<tc>} {
    %get3A = arith.constant 0 : index
    %get3A_0 = arith.constant 0 : index
    %get3A_1 = vector.load %arg0[%get3A, %get3A_0] : memref<2048x128xf32, #tpu.memory_space<vmem>>, vector<2048x128xf32>
    %reshape3A = vector.shape_cast %get3A_1 : vector<2048x128xf32> to vector<32x2x32x128xf32>
    %slice3A = vector.extract_strided_slice %reshape3A {offsets = [0, 0, 0, 0], sizes = [32, 1, 32, 128], strides = [1, 1, 1, 1]} : vector<32x2x32x128xf32> to vector<32x1x32x128xf32>
    %squeeze3A = vector.shape_cast %slice3A : vector<32x1x32x128xf32> to vector<32x32x128xf32>
    %reduce_sum3A = arith.constant dense<0.000000e+00> : vector<32x128xf32>
    %reduce_sum3A_2 = vector.multi_reduction <add>, %squeeze3A, %reduce_sum3A [0] : vector<32x32x128xf32> to vector<32x128xf32>
    %slice3A_3 = vector.extract_strided_slice %reshape3A {offsets = [0, 1, 0, 0], sizes = [32, 1, 32, 128], strides = [1, 1, 1, 1]} : vector<32x2x32x128xf32> to vector<32x1x32x128xf32>
    %squeeze3A_4 = vector.shape_cast %slice3A_3 : vector<32x1x32x128xf32> to vector<32x32x128xf32>
    %reduce_sum3A_5 = arith.constant dense<0.000000e+00> : vector<32x128xf32>
    %reduce_sum3A_6 = vector.multi_reduction <add>, %squeeze3A_4, %reduce_sum3A_5 [0] : vector<32x32x128xf32> to vector<32x128xf32>
    %mul3A = arith.constant 1.600000e+01 : f32
    %mul3A_7 = vector.broadcast %mul3A : f32 to vector<32x128xf32>
    %mul3A_8 = arith.mulf %mul3A_7, %reduce_sum3A_6 : vector<32x128xf32>
    %add3A = arith.constant 9.99999971E-10 : f32
    %add3A_9 = vector.broadcast %add3A : f32 to vector<32x128xf32>
    %add3A_10 = arith.addf %reduce_sum3A_2, %add3A_9 : vector<32x128xf32>
    %div3A = arith.divf %mul3A_8, %add3A_10 : vector<32x128xf32>
    %swap3A = arith.constant 0 : index
    %swap3A_11 = arith.constant 0 : index
    %swap3A_12 = vector.load %arg1[%swap3A, %swap3A_11] : memref<32x128xf32, #tpu.memory_space<vmem>>, vector<32x128xf32>
    tpu.vector_store %arg1[%swap3A, %swap3A_11], %div3A {strides = array<i32>} : memref<32x128xf32, #tpu.memory_space<vmem>>, vector<32x128xf32>,
    return
  }
}

module attributes {stable_mosaic.version = 14 : i64} {
  func.func @_gram_body(%arg0: i32, %arg1: memref<256x256xf32, #tpu.memory_space<vmem>>, %arg2: memref<2048x256xf32, #tpu.memory_space<vmem>>, %arg3: memref<32x16x8x128xf32, #tpu.memory_space<vmem>>) attributes {dimension_semantics = [#tpu.dimension_semantics<arbitrary>], iteration_bounds = array<i64: 8>, scalar_prefetch = 0 : i64, scratch_operands = 0 : i64, tpu.core_type = #tpu.core_type<tc>, window_params = [{transform_indices = @transform_0, window_bounds = array<i64: 256, 256>}, {transform_indices = @transform_1, window_bounds = array<i64: 2048, 256>}, {transform_indices = @transform_2, window_bounds = array<i64: 32, 16, 8, 128>}]} {
    %get3A = arith.constant 0 : index
    %get3A_0 = arith.constant 0 : index
    %get3A_1 = vector.load %arg1[%get3A, %get3A_0] : memref<256x256xf32, #tpu.memory_space<vmem>>, vector<256x256xf32>
    %get3A_2 = arith.constant 0 : index
    %get3A_3 = arith.constant 0 : index
    %get3A_4 = vector.load %arg2[%get3A_2, %get3A_3] : memref<2048x256xf32, #tpu.memory_space<vmem>>, vector<2048x256xf32>
    %dot_general3A = arith.constant dense<0.000000e+00> : vector<256x2048xf32>
    %dot_general3A_5 = tpu.matmul %get3A_1, %get3A_4, %dot_general3A {dimension_numbers = #tpu.dot_dimension_numbers<[1], [1], [0], [0], [0, 0, 1, 0], [], []>, transpose_lhs_hint = false} : vector<256x256xf32>, vector<2048x256xf32>, vector<256x2048xf32> -> vector<256x2048xf32>
    %mul3A = arith.constant 6.250000e-02 : f32
    %mul3A_6 = vector.broadcast %mul3A : f32 to vector<256x2048xf32>
    %mul3A_7 = arith.mulf %dot_general3A_5, %mul3A_6 : vector<256x2048xf32>
    %slice3A = vector.extract_strided_slice %mul3A_7 {offsets = [0, 0], sizes = [256, 128], strides = [1, 1]} : vector<256x2048xf32> to vector<256x128xf32>
    %reshape3A = vector.shape_cast %slice3A : vector<256x128xf32> to vector<32x8x128xf32>
    %swap3A = arith.constant 0 : index
    %swap3A_8 = arith.constant 0 : index
    %swap3A_9 = arith.constant 0 : index
    %swap3A_10 = arith.constant 0 : index
    %swap3A_11 = vector.load %arg3[%swap3A, %swap3A_8, %swap3A_9, %swap3A_10] : memref<32x16x8x128xf32, #tpu.memory_space<vmem>>, vector<32x1x8x128xf32>
    %swap3A_12 = vector.shape_cast %swap3A_11 : vector<32x1x8x128xf32> to vector<32x8x128xf32>
    %swap3A_13 = vector.shape_cast %reshape3A : vector<32x8x128xf32> to vector<32x1x8x128xf32>
    tpu.vector_store %arg3[%swap3A, %swap3A_8, %swap3A_9, %swap3A_10], %swap3A_13 {strides = array<i32>} : memref<32x16x8x128xf32, #tpu.memory_space<vmem>>, vector<32x1x8x128xf32>,
    %slice3A_14 = vector.extract_strided_slice %mul3A_7 {offsets = [0, 128], sizes = [256, 128], strides = [1, 1]} : vector<256x2048xf32> to vector<256x128xf32>
    %reshape3A_15 = vector.shape_cast %slice3A_14 : vector<256x128xf32> to vector<32x8x128xf32>
    %swap3A_16 = arith.constant 0 : index
    %swap3A_17 = arith.constant 1 : index
    %swap3A_18 = arith.constant 0 : index
    %swap3A_19 = arith.constant 0 : index
    %swap3A_20 = vector.load %arg3[%swap3A_16, %swap3A_17, %swap3A_18, %swap3A_19] : memref<32x16x8x128xf32, #tpu.memory_space<vmem>>, vector<32x1x8x128xf32>
    %swap3A_21 = vector.shape_cast %swap3A_20 : vector<32x1x8x128xf32> to vector<32x8x128xf32>
    %swap3A_22 = vector.shape_cast %reshape3A_15 : vector<32x8x128xf32> to vector<32x1x8x128xf32>
    tpu.vector_store %arg3[%swap3A_16, %swap3A_17, %swap3A_18, %swap3A_19], %swap3A_22 {strides = array<i32>} : memref<32x16x8x128xf32, #tpu.memory_space<vmem>>, vector<32x1x8x128xf32>,
    %slice3A_23 = vector.extract_strided_slice %mul3A_7 {offsets = [0, 256], sizes = [256, 128], strides = [1, 1]} : vector<256x2048xf32> to vector<256x128xf32>
    %reshape3A_24 = vector.shape_cast %slice3A_23 : vector<256x128xf32> to vector<32x8x128xf32>
    %swap3A_25 = arith.constant 0 : index
    %swap3A_26 = arith.constant 2 : index
    %swap3A_27 = arith.constant 0 : index
    %swap3A_28 = arith.constant 0 : index
    %swap3A_29 = vector.load %arg3[%swap3A_25, %swap3A_26, %swap3A_27, %swap3A_28] : memref<32x16x8x128xf32, #tpu.memory_space<vmem>>, vector<32x1x8x128xf32>
    %swap3A_30 = vector.shape_cast %swap3A_29 : vector<32x1x8x128xf32> to vector<32x8x128xf32>
    %swap3A_31 = vector.shape_cast %reshape3A_24 : vector<32x8x128xf32> to vector<32x1x8x128xf32>
    tpu.vector_store %arg3[%swap3A_25, %swap3A_26, %swap3A_27, %swap3A_28], %swap3A_31 {strides = array<i32>} : memref<32x16x8x128xf32, #tpu.memory_space<vmem>>, vector<32x1x8x128xf32>,
    %slice3A_32 = vector.extract_strided_slice %mul3A_7 {offsets = [0, 384], sizes = [256, 128], strides = [1, 1]} : vector<256x2048xf32> to vector<256x128xf32>
    %reshape3A_33 = vector.shape_cast %slice3A_32 : vector<256x128xf32> to vector<32x8x128xf32>
    %swap3A_34 = arith.constant 0 : index
    %swap3A_35 = arith.constant 3 : index
    %swap3A_36 = arith.constant 0 : index
    %swap3A_37 = arith.constant 0 : index
    %swap3A_38 = vector.load %arg3[%swap3A_34, %swap3A_35, %swap3A_36, %swap3A_37] : memref<32x16x8x128xf32, #tpu.memory_space<vmem>>, vector<32x1x8x128xf32>
    %swap3A_39 = vector.shape_cast %swap3A_38 : vector<32x1x8x128xf32> to vector<32x8x128xf32>
    %swap3A_40 = vector.shape_cast %reshape3A_33 : vector<32x8x128xf32> to vector<32x1x8x128xf32>
    tpu.vector_store %arg3[%swap3A_34, %swap3A_35, %swap3A_36, %swap3A_37], %swap3A_40 {strides = array<i32>} : memref<32x16x8x128xf32, #tpu.memory_space<vmem>>, vector<32x1x8x128xf32>,
    %slice3A_41 = vector.extract_strided_slice %mul3A_7 {offsets = [0, 512], sizes = [256, 128], strides = [1, 1]} : vector<256x2048xf32> to vector<256x128xf32>
    %reshape3A_42 = vector.shape_cast %slice3A_41 : vector<256x128xf32> to vector<32x8x128xf32>
    %swap3A_43 = arith.constant 0 : index
    %swap3A_44 = arith.constant 4 : index
    %swap3A_45 = arith.constant 0 : index
    %swap3A_46 = arith.constant 0 : index
    %swap3A_47 = vector.load %arg3[%swap3A_43, %swap3A_44, %swap3A_45, %swap3A_46] : memref<32x16x8x128xf32, #tpu.memory_space<vmem>>, vector<32x1x8x128xf32>
    %swap3A_48 = vector.shape_cast %swap3A_47 : vector<32x1x8x128xf32> to vector<32x8x128xf32>
    %swap3A_49 = vector.shape_cast %reshape3A_42 : vector<32x8x128xf32> to vector<32x1x8x128xf32>
    tpu.vector_store %arg3[%swap3A_43, %swap3A_44, %swap3A_45, %swap3A_46], %swap3A_49 {strides = array<i32>} : memref<32x16x8x128xf32, #tpu.memory_space<vmem>>, vector<32x1x8x128xf32>,
    %slice3A_50 = vector.extract_strided_slice %mul3A_7 {offsets = [0, 640], sizes = [256, 128], strides = [1, 1]} : vector<256x2048xf32> to vector<256x128xf32>
    %reshape3A_51 = vector.shape_cast %slice3A_50 : vector<256x128xf32> to vector<32x8x128xf32>
    %swap3A_52 = arith.constant 0 : index
    %swap3A_53 = arith.constant 5 : index
    %swap3A_54 = arith.constant 0 : index
    %swap3A_55 = arith.constant 0 : index
    %swap3A_56 = vector.load %arg3[%swap3A_52, %swap3A_53, %swap3A_54, %swap3A_55] : memref<32x16x8x128xf32, #tpu.memory_space<vmem>>, vector<32x1x8x128xf32>
    %swap3A_57 = vector.shape_cast %swap3A_56 : vector<32x1x8x128xf32> to vector<32x8x128xf32>
    %swap3A_58 = vector.shape_cast %reshape3A_51 : vector<32x8x128xf32> to vector<32x1x8x128xf32>
    tpu.vector_store %arg3[%swap3A_52, %swap3A_53, %swap3A_54, %swap3A_55], %swap3A_58 {strides = array<i32>} : memref<32x16x8x128xf32, #tpu.memory_space<vmem>>, vector<32x1x8x128xf32>,
    %slice3A_59 = vector.extract_strided_slice %mul3A_7 {offsets = [0, 768], sizes = [256, 128], strides = [1, 1]} : vector<256x2048xf32> to vector<256x128xf32>
    %reshape3A_60 = vector.shape_cast %slice3A_59 : vector<256x128xf32> to vector<32x8x128xf32>
    %swap3A_61 = arith.constant 0 : index
    %swap3A_62 = arith.constant 6 : index
    %swap3A_63 = arith.constant 0 : index
    %swap3A_64 = arith.constant 0 : index
    %swap3A_65 = vector.load %arg3[%swap3A_61, %swap3A_62, %swap3A_63, %swap3A_64] : memref<32x16x8x128xf32, #tpu.memory_space<vmem>>, vector<32x1x8x128xf32>
    %swap3A_66 = vector.shape_cast %swap3A_65 : vector<32x1x8x128xf32> to vector<32x8x128xf32>
    %swap3A_67 = vector.shape_cast %reshape3A_60 : vector<32x8x128xf32> to vector<32x1x8x128xf32>
    tpu.vector_store %arg3[%swap3A_61, %swap3A_62, %swap3A_63, %swap3A_64], %swap3A_67 {strides = array<i32>} : memref<32x16x8x128xf32, #tpu.memory_space<vmem>>, vector<32x1x8x128xf32>,
    %slice3A_68 = vector.extract_strided_slice %mul3A_7 {offsets = [0, 896], sizes = [256, 128], strides = [1, 1]} : vector<256x2048xf32> to vector<256x128xf32>
    %reshape3A_69 = vector.shape_cast %slice3A_68 : vector<256x128xf32> to vector<32x8x128xf32>
    %swap3A_70 = arith.constant 0 : index
    %swap3A_71 = arith.constant 7 : index
    %swap3A_72 = arith.constant 0 : index
    %swap3A_73 = arith.constant 0 : index
    %swap3A_74 = vector.load %arg3[%swap3A_70, %swap3A_71, %swap3A_72, %swap3A_73] : memref<32x16x8x128xf32, #tpu.memory_space<vmem>>, vector<32x1x8x128xf32>
    %swap3A_75 = vector.shape_cast %swap3A_74 : vector<32x1x8x128xf32> to vector<32x8x128xf32>
    %swap3A_76 = vector.shape_cast %reshape3A_69 : vector<32x8x128xf32> to vector<32x1x8x128xf32>
    tpu.vector_store %arg3[%swap3A_70, %swap3A_71, %swap3A_72, %swap3A_73], %swap3A_76 {strides = array<i32>} : memref<32x16x8x128xf32, #tpu.memory_space<vmem>>, vector<32x1x8x128xf32>,
    %slice3A_77 = vector.extract_strided_slice %mul3A_7 {offsets = [0, 1024], sizes = [256, 128], strides = [1, 1]} : vector<256x2048xf32> to vector<256x128xf32>
    %reshape3A_78 = vector.shape_cast %slice3A_77 : vector<256x128xf32> to vector<32x8x128xf32>
    %swap3A_79 = arith.constant 0 : index
    %swap3A_80 = arith.constant 8 : index
    %swap3A_81 = arith.constant 0 : index
    %swap3A_82 = arith.constant 0 : index
    %swap3A_83 = vector.load %arg3[%swap3A_79, %swap3A_80, %swap3A_81, %swap3A_82] : memref<32x16x8x128xf32, #tpu.memory_space<vmem>>, vector<32x1x8x128xf32>
    %swap3A_84 = vector.shape_cast %swap3A_83 : vector<32x1x8x128xf32> to vector<32x8x128xf32>
    %swap3A_85 = vector.shape_cast %reshape3A_78 : vector<32x8x128xf32> to vector<32x1x8x128xf32>
    tpu.vector_store %arg3[%swap3A_79, %swap3A_80, %swap3A_81, %swap3A_82], %swap3A_85 {strides = array<i32>} : memref<32x16x8x128xf32, #tpu.memory_space<vmem>>, vector<32x1x8x128xf32>,
    %slice3A_86 = vector.extract_strided_slice %mul3A_7 {offsets = [0, 1152], sizes = [256, 128], strides = [1, 1]} : vector<256x2048xf32> to vector<256x128xf32>
    %reshape3A_87 = vector.shape_cast %slice3A_86 : vector<256x128xf32> to vector<32x8x128xf32>
    %swap3A_88 = arith.constant 0 : index
    %swap3A_89 = arith.constant 9 : index
    %swap3A_90 = arith.constant 0 : index
    %swap3A_91 = arith.constant 0 : index
    %swap3A_92 = vector.load %arg3[%swap3A_88, %swap3A_89, %swap3A_90, %swap3A_91] : memref<32x16x8x128xf32, #tpu.memory_space<vmem>>, vector<32x1x8x128xf32>
    %swap3A_93 = vector.shape_cast %swap3A_92 : vector<32x1x8x128xf32> to vector<32x8x128xf32>
    %swap3A_94 = vector.shape_cast %reshape3A_87 : vector<32x8x128xf32> to vector<32x1x8x128xf32>
    tpu.vector_store %arg3[%swap3A_88, %swap3A_89, %swap3A_90, %swap3A_91], %swap3A_94 {strides = array<i32>} : memref<32x16x8x128xf32, #tpu.memory_space<vmem>>, vector<32x1x8x128xf32>,
    %slice3A_95 = vector.extract_strided_slice %mul3A_7 {offsets = [0, 1280], sizes = [256, 128], strides = [1, 1]} : vector<256x2048xf32> to vector<256x128xf32>
    %reshape3A_96 = vector.shape_cast %slice3A_95 : vector<256x128xf32> to vector<32x8x128xf32>
    %swap3A_97 = arith.constant 0 : index
    %swap3A_98 = arith.constant 10 : index
    %swap3A_99 = arith.constant 0 : index
    %swap3A_100 = arith.constant 0 : index
    %swap3A_101 = vector.load %arg3[%swap3A_97, %swap3A_98, %swap3A_99, %swap3A_100] : memref<32x16x8x128xf32, #tpu.memory_space<vmem>>, vector<32x1x8x128xf32>
    %swap3A_102 = vector.shape_cast %swap3A_101 : vector<32x1x8x128xf32> to vector<32x8x128xf32>
    %swap3A_103 = vector.shape_cast %reshape3A_96 : vector<32x8x128xf32> to vector<32x1x8x128xf32>
    tpu.vector_store %arg3[%swap3A_97, %swap3A_98, %swap3A_99, %swap3A_100], %swap3A_103 {strides = array<i32>} : memref<32x16x8x128xf32, #tpu.memory_space<vmem>>, vector<32x1x8x128xf32>,
    %slice3A_104 = vector.extract_strided_slice %mul3A_7 {offsets = [0, 1408], sizes = [256, 128], strides = [1, 1]} : vector<256x2048xf32> to vector<256x128xf32>
    %reshape3A_105 = vector.shape_cast %slice3A_104 : vector<256x128xf32> to vector<32x8x128xf32>
    %swap3A_106 = arith.constant 0 : index
    %swap3A_107 = arith.constant 11 : index
    %swap3A_108 = arith.constant 0 : index
    %swap3A_109 = arith.constant 0 : index
    %swap3A_110 = vector.load %arg3[%swap3A_106, %swap3A_107, %swap3A_108, %swap3A_109] : memref<32x16x8x128xf32, #tpu.memory_space<vmem>>, vector<32x1x8x128xf32>
    %swap3A_111 = vector.shape_cast %swap3A_110 : vector<32x1x8x128xf32> to vector<32x8x128xf32>
    %swap3A_112 = vector.shape_cast %reshape3A_105 : vector<32x8x128xf32> to vector<32x1x8x128xf32>
    tpu.vector_store %arg3[%swap3A_106, %swap3A_107, %swap3A_108, %swap3A_109], %swap3A_112 {strides = array<i32>} : memref<32x16x8x128xf32, #tpu.memory_space<vmem>>, vector<32x1x8x128xf32>,
    %slice3A_113 = vector.extract_strided_slice %mul3A_7 {offsets = [0, 1536], sizes = [256, 128], strides = [1, 1]} : vector<256x2048xf32> to vector<256x128xf32>
    %reshape3A_114 = vector.shape_cast %slice3A_113 : vector<256x128xf32> to vector<32x8x128xf32>
    %swap3A_115 = arith.constant 0 : index
    %swap3A_116 = arith.constant 12 : index
    %swap3A_117 = arith.constant 0 : index
    %swap3A_118 = arith.constant 0 : index
    %swap3A_119 = vector.load %arg3[%swap3A_115, %swap3A_116, %swap3A_117, %swap3A_118] : memref<32x16x8x128xf32, #tpu.memory_space<vmem>>, vector<32x1x8x128xf32>
    %swap3A_120 = vector.shape_cast %swap3A_119 : vector<32x1x8x128xf32> to vector<32x8x128xf32>
    %swap3A_121 = vector.shape_cast %reshape3A_114 : vector<32x8x128xf32> to vector<32x1x8x128xf32>
    tpu.vector_store %arg3[%swap3A_115, %swap3A_116, %swap3A_117, %swap3A_118], %swap3A_121 {strides = array<i32>} : memref<32x16x8x128xf32, #tpu.memory_space<vmem>>, vector<32x1x8x128xf32>,
    %slice3A_122 = vector.extract_strided_slice %mul3A_7 {offsets = [0, 1664], sizes = [256, 128], strides = [1, 1]} : vector<256x2048xf32> to vector<256x128xf32>
    %reshape3A_123 = vector.shape_cast %slice3A_122 : vector<256x128xf32> to vector<32x8x128xf32>
    %swap3A_124 = arith.constant 0 : index
    %swap3A_125 = arith.constant 13 : index
    %swap3A_126 = arith.constant 0 : index
    %swap3A_127 = arith.constant 0 : index
    %swap3A_128 = vector.load %arg3[%swap3A_124, %swap3A_125, %swap3A_126, %swap3A_127] : memref<32x16x8x128xf32, #tpu.memory_space<vmem>>, vector<32x1x8x128xf32>
    %swap3A_129 = vector.shape_cast %swap3A_128 : vector<32x1x8x128xf32> to vector<32x8x128xf32>
    %swap3A_130 = vector.shape_cast %reshape3A_123 : vector<32x8x128xf32> to vector<32x1x8x128xf32>
    tpu.vector_store %arg3[%swap3A_124, %swap3A_125, %swap3A_126, %swap3A_127], %swap3A_130 {strides = array<i32>} : memref<32x16x8x128xf32, #tpu.memory_space<vmem>>, vector<32x1x8x128xf32>,
    %slice3A_131 = vector.extract_strided_slice %mul3A_7 {offsets = [0, 1792], sizes = [256, 128], strides = [1, 1]} : vector<256x2048xf32> to vector<256x128xf32>
    %reshape3A_132 = vector.shape_cast %slice3A_131 : vector<256x128xf32> to vector<32x8x128xf32>
    %swap3A_133 = arith.constant 0 : index
    %swap3A_134 = arith.constant 14 : index
    %swap3A_135 = arith.constant 0 : index
    %swap3A_136 = arith.constant 0 : index
    %swap3A_137 = vector.load %arg3[%swap3A_133, %swap3A_134, %swap3A_135, %swap3A_136] : memref<32x16x8x128xf32, #tpu.memory_space<vmem>>, vector<32x1x8x128xf32>
    %swap3A_138 = vector.shape_cast %swap3A_137 : vector<32x1x8x128xf32> to vector<32x8x128xf32>
    %swap3A_139 = vector.shape_cast %reshape3A_132 : vector<32x8x128xf32> to vector<32x1x8x128xf32>
    tpu.vector_store %arg3[%swap3A_133, %swap3A_134, %swap3A_135, %swap3A_136], %swap3A_139 {strides = array<i32>} : memref<32x16x8x128xf32, #tpu.memory_space<vmem>>, vector<32x1x8x128xf32>,
    %slice3A_140 = vector.extract_strided_slice %mul3A_7 {offsets = [0, 1920], sizes = [256, 128], strides = [1, 1]} : vector<256x2048xf32> to vector<256x128xf32>
    %reshape3A_141 = vector.shape_cast %slice3A_140 : vector<256x128xf32> to vector<32x8x128xf32>
    %swap3A_142 = arith.constant 0 : index
    %swap3A_143 = arith.constant 15 : index
    %swap3A_144 = arith.constant 0 : index
    %swap3A_145 = arith.constant 0 : index
    %swap3A_146 = vector.load %arg3[%swap3A_142, %swap3A_143, %swap3A_144, %swap3A_145] : memref<32x16x8x128xf32, #tpu.memory_space<vmem>>, vector<32x1x8x128xf32>
    %swap3A_147 = vector.shape_cast %swap3A_146 : vector<32x1x8x128xf32> to vector<32x8x128xf32>
    %swap3A_148 = vector.shape_cast %reshape3A_141 : vector<32x8x128xf32> to vector<32x1x8x128xf32>
    tpu.vector_store %arg3[%swap3A_142, %swap3A_143, %swap3A_144, %swap3A_145], %swap3A_148 {strides = array<i32>} : memref<32x16x8x128xf32, #tpu.memory_space<vmem>>, vector<32x1x8x128xf32>,
    return
  }
  func.func @transform_0(%arg0: i32) -> (i32, i32) {
    %c0_i32 = arith.constant 0 : i32
    %c0_i32_0 = arith.constant 0 : i32
    return %arg0, %c0_i32 : i32, i32
  }
  func.func @transform_1(%arg0: i32) -> (i32, i32) {
    %c0_i32 = arith.constant 0 : i32
    %c0_i32_0 = arith.constant 0 : i32
    %c0_i32_1 = arith.constant 0 : i32
    return %c0_i32, %c0_i32_0 : i32, i32
  }
  func.func @transform_2(%arg0: i32) -> (i32, i32, i32, i32) {
    %c0_i32 = arith.constant 0 : i32
    %c0_i32_0 = arith.constant 0 : i32
    %c0_i32_1 = arith.constant 0 : i32
    %c0_i32_2 = arith.constant 0 : i32
    return %arg0, %c0_i32, %c0_i32_0, %c0_i32_1 : i32, i32, i32, i32
  }
}

</mosaic_0001>

<sc_bundles>
// kernel: _impl.5.cloned.1.call-start
scs
__scs_entry_jumppad:
0x0: {  	(pc) =	sbr.rel $0x88, $3  }
0x1: {  	(tag) =	ssettag $0x0;
	lr =	simm.s32 $0x1  }
0x2: {  	[smem:$0x3F9D] =	sst lr;
	_ =	strace $0xD0000000  }
0x3: {  	_ = 	snop  }
0x4: {  	_ = 	snop  }
0x5: {  	_ = 	snop  }
0x6: {  	_ = 	snop  }
0x7: {  	_ = 	snop  }
__scs_overlays_trampoline_lowered:
0x8: {  	[smem:$0x3FAC] =	sst s0  }
0x9: {  	[smem:$0x3FAD] =	sst s1  }
0xa: {  	[smem:$0x3FAE] =	sst s2  }
0xb: {  	[smem:$0x3FAF] =	sst s3  }
0xc: {  	[smem:$0x3FB0] =	sst s4  }
0xd: {  	[smem:$0x3FB1] =	sst s5  }
0xe: {  	[smem:$0x3FB2] =	sst s6  }
0xf: {  	[smem:$0x3FB3] =	sst s7  }
0x10: {  	[smem:$0x3FB4] =	sst s8  }
0x11: {  	[smem:$0x3FB5] =	sst s9;
	s0 =	simm.s32 @!p0 $0x0  }
0x12: {  	s1 =	sld [smem:$0x3F9B];
	s0 =	simm.s32 @p0 $0x1  }
0x13: {  	[smem:$0x3FB6] =	sst s0;
	s0 =	simm.s32 @!p1 $0x0  }
0x14: {  	s2 =	sld [smem:$0x3F9A];
	s0 =	simm.s32 @p1 $0x1  }
0x15: {  	[smem:$0x3FB7] =	sst s0;
	s0 =	simm.s32 @!p2 $0x0  }
0x16: {  	s3 =	sld [smem:$0x3FDB];
	s0 =	simm.s32 @p2 $0x1  }
0x17: {  	s4 =	simm.s32 $0x1BF5;
	[smem:$0x3FB9] =	sst s0  }
0x18: {  	s0 =	sld [smem:$0x3F9C];
	_ =	swait.ge [sflag:s4], $0x0  }
0x19: {  	s7 =	sld [smem:$0x3F9D]  }
0x1a: {  	s8 =	sadd.s32 $0xFFFFE003, lr  }
0x1b: {  	s9 =	sadd.s32 $0xFFFFFEF7, lr;
	s5 =	simm.s32 $0xFFFFFFFF;
	p2 =	slt.u32 s8, $0xFFFFF086  }
0x1c: {  	p1 =	slt.u32 s9, $0xF7A;
	s5 =	simm.s32 @!p2 $0x0  }
0x1d: {  	s5 =	simm.s32 @p1 $0x1;
	p0 =	seq.s32 s7, s2  }
0x1e: {  	s7 =	smul.u32 @!p0 $0xF7A, s2;
	p2 =	seq.s32 @!p0 s5, $0x0  }
0x1f: {  	s9 =	smul.u32 $0xF7A, s1;
	s8 =	simm.s32 @!p0 $0x1BF5;
	p2 =	por !p2, p0  }
0x20: {  	[sflag:s8] =	ssyncset.s32 @!p0 $0xFFFFF086;
	s6 =	sadd.s32 @!p0 s3, s7;
	s7 =	simm.s32 @!p0 $0x108  }
0x21: {  	s3 =	sadd.s32 s3, s9;
	s6 =	sadd.s32 @!p0 $0x88, s6;
	s7 =	simm.s32 @p2 $0x1082  }
0x22: {  	[simem:s7], [sflag:s8] =	dma.local @!p0 [hbm:s6], $0xF7A  }
0x23: {  	s9 =	sor.u32 $0xD0000000, s2;
	s6 =	simm.s32 $0x108;
	_ =	swait.ge @!p0 [sflag:s8], $0x0  }
0x24: {  	s3 =	sadd.s32 $0x88, s3;
	s6 =	simm.s32 @!p1 $0x1082;
	[sflag:s4] =	ssyncset.s32 $0xFFFFF086  }
0x25: {  	[simem:s6], [sflag:s4] =	dma.local [hbm:s3], $0xF7A  }
0x26: {  	[smem:$0x3F9D] =	sst s1;
	(tag) =	ssettag s2;
	_ =	strace s9  }
0x27: {  	s1 =	sld [smem:$0x3FAD]  }
0x28: {  	s2 =	sld [smem:$0x3FAE]  }
0x29: {  	s4 =	sld [smem:$0x3FB0]  }
0x2a: {  	p0 =	seq.s32 s5, $0x0;
	s5 =	sld [smem:$0x3FB1]  }
0x2b: {  	s6 =	sld [smem:$0x3FB2]  }
0x2c: {  	s7 =	sld [smem:$0x3FB3]  }
0x2d: {  	s3 =	simm.s32 $0x108;
	s8 =	sld [smem:$0x3FB4]  }
0x2e: {  	s3 =	simm.s32 @!p0 $0x1082;
	s9 =	sld [smem:$0x3FB5]  }
0x2f: {  	lr =	sadd.s32 s0, s3;
	s0 =	sld [smem:$0x3FAC]  }
0x30: {  	s3 =	sld [smem:$0x3FAF]  }
0x31: {  	[smem:$0x3FB8] =	sst s10  }
0x32: {  	s10 =	sld [smem:$0x3FB6];
	_ =	sdelay $0x3  }
0x33: {  	p0 =	seq.s32 s10, $0x1;
	s10 =	sld [smem:$0x3FB8];
	_ =	sdelay $0x3  }
0x34: {  	[smem:$0x3FB8] =	sst s10  }
0x35: {  	s10 =	sld [smem:$0x3FB7];
	_ =	sdelay $0x3  }
0x36: {  	p1 =	seq.s32 s10, $0x1;
	s10 =	sld [smem:$0x3FB8];
	_ =	sdelay $0x3  }
0x37: {  	[smem:$0x3FB8] =	sst s10  }
0x38: {  	s10 =	sld [smem:$0x3FB9]  }
0x39: {  	_ = 	snop;
	(pc) =	sbr.ind lr, $3  }
0x3a: {  	_ = 	snop  }
0x3b: {  	_ = 	snop  }
0x3c: {  	p2 =	seq.s32 s10, $0x1;
	s10 =	sld [smem:$0x3FB8]  }
0x3d: {  	_ =	shalt  }
0x3e: {  	_ =	shalt  }
0x3f: {  	_ =	shalt  }
0x40: {  	_ =	shalt  }
0x41: {  	_ =	shalt  }
0x42: {  	_ =	shalt  }
0x43: {  	_ =	shalt  }
0x44: {  	_ =	shalt  }
0x45: {  	_ =	shalt  }
0x46: {  	_ =	shalt  }
0x47: {  	_ =	shalt  }
0x48: {  	_ =	shalt  }
0x49: {  	_ =	shalt  }
0x4a: {  	_ =	shalt  }
0x4b: {  	_ =	shalt  }
0x4c: {  	_ =	shalt  }
0x4d: {  	_ =	shalt  }
0x4e: {  	_ =	shalt  }
0x4f: {  	_ =	shalt  }
0x50: {  	_ =	shalt  }
0x51: {  	_ =	shalt  }
0x52: {  	_ =	shalt  }
0x53: {  	_ =	shalt  }
0x54: {  	_ =	shalt  }
0x55: {  	_ =	shalt  }
0x56: {  	_ =	shalt  }
0x57: {  	_ =	shalt  }
0x58: {  	_ =	shalt  }
0x59: {  	_ =	shalt  }
0x5a: {  	_ =	shalt  }
0x5b: {  	_ =	shalt  }
0x5c: {  	_ =	shalt  }
0x5d: {  	_ =	shalt  }
0x5e: {  	_ =	shalt  }
0x5f: {  	_ =	shalt  }
0x60: {  	_ =	shalt  }
0x61: {  	_ =	shalt  }
0x62: {  	_ =	shalt  }
0x63: {  	_ =	shalt  }
0x64: {  	_ =	shalt  }
0x65: {  	_ =	shalt  }
0x66: {  	_ =	shalt  }
0x67: {  	_ =	shalt  }
0x68: {  	_ =	shalt  }
0x69: {  	_ =	shalt  }
0x6a: {  	_ =	shalt  }
0x6b: {  	_ =	shalt  }
0x6c: {  	_ =	shalt  }
0x6d: {  	_ =	shalt  }
0x6e: {  	_ =	shalt  }
0x6f: {  	_ =	shalt  }
0x70: {  	_ =	shalt  }
0x71: {  	_ =	shalt  }
0x72: {  	_ =	shalt  }
0x73: {  	_ =	shalt  }
0x74: {  	_ =	shalt  }
0x75: {  	_ =	shalt  }
0x76: {  	_ =	shalt  }
0x77: {  	_ =	shalt  }
0x78: {  	_ =	shalt  }
0x79: {  	_ =	shalt  }
0x7a: {  	_ =	shalt  }
0x7b: {  	_ =	shalt  }
0x7c: {  	_ =	shalt  }
0x7d: {  	_ =	shalt  }
0x7e: {  	_ =	shalt  }
0x7f: {  	_ =	shalt  }
0x80: {  	_ =	shalt  }
0x81: {  	_ =	shalt  }
0x82: {  	_ =	shalt  }
0x83: {  	_ =	shalt  }
0x84: {  	_ =	shalt  }
0x85: {  	_ =	shalt  }
0x86: {  	_ =	shalt  }
0x87: {  	_ =	shalt  }
.Lfunc_end0:
.L_simem_size_0:
called_computation_lowered:
.L_overlay_start_0:
0x88: {  	s2 =	sld [smem:$0x3FD9]  }
0x89: {  	s3 =	sld [smem:$0x3FFE];
	_ =	sdelay $0x1  }
0x8a: {  	s1 =	srdreg.scid  }
0x8b: {  	s0 =	sand.u32 $0x1, s1  }
0x8c: {  	s17 =	sshll.u32 s0, $0xA;
	s2 =	sadd.s32 s3, s2  }
0x8d: {  	s2 =	sadd.s32 s2, s17  }
0x8e: {  	[smem:$0x3FC4] =	sst s2  }
0x8f: {  	_ = 	snop  }
0x90: {  	s2 =	sld [smem:$0x3FC8]  }
0x91: {  	s18 =	sld [smem:$0x3FC7]  }
0x92: {  	s4 =	sld [smem:$0x3FD0];
	(tm) =	ssettm $0x1  }
0x93: {  	s5 =	sld [smem:$0x3FFB];
	_ =	sdelay $0x3  }
0x94: {  	_ =	strace s5  }
0x95: {  	s5 =	sld [smem:$0x3FFC];
	_ =	sdelay $0x3  }
0x96: {  	_ =	strace s5  }
0x97: {  	s5 =	sld [smem:$0x3FFD];
	_ =	sdelay $0x3  }
0x98: {  	_ =	strace s5  }
0x99: {  	_ =	strace $0x8FFFFFFF  }
0x9a: {  	s19 =	sld [smem:$0x3FDB];
	_ =	sdelay $0x1  }
0x9b: {  	s6 =	simm.s32 $_scs_section_size  }
0x9c: {  	s7 =	simm.s32 $_size__tile_overlayer_lowered;
	s8 =	simm.s32 $_tile_overlayer_lowered  }
0x9d: {  	s22 =	simm.s32 $0x1BFF;
	s21 =	sshll.u32 s8, $0x1;
	s5 =	sadd.s32 s6, s19  }
0x9e: {  	s9 =	simm.s32 $0x0;
	s20 =	sshll.u32 s7, $0x1;
	s7 =	sadd.s32 s21, s5  }
0x9f: {  	[timem:s9], [sflag:s22] =	dma.local [hbm:s7], s20  }
0xa0: {  	_ =	swait.ge [sflag:s22], s20  }
0xa1: {  	s6 =	ssub.s32 $0x0, s20;
	[sflag:s22] =	ssyncset.done $0x0  }
0xa2: {  	[sflag:s22] =	ssyncadd.s32 s6;
	_ =	sdelay $0x1  }
0xa3: {  	s23 =	simm.s32 $0x1B8B  }
0xa4: {  	_ =	swait.ge [sflag:s23], $0x1  }
0xa5: {  	[sflag:s23] =	ssyncset.done $0x0  }
0xa6: {  	s25 =	simm.s32 $0x1B8E;
	s24 =	sld [smem:$0x3FFE];
	[sflag:s23] =	ssyncadd.s32 $0xFFFFFFFF  }
0xa7: {  	s26 =	simm.s32 $execute0_lowered;
	[smem:$0x3FD2] =	sst s25  }
0xa8: {  	s7 =	sshll.u32 s26, $0x1;
	_ =	strace $0x80000046;
	[dreg:$0x1] =	wrdreg $0xFFFFFFFF  }
0xa9: {  	s28 =	simm.s32 $_size_execute0_lowered;
	s5 =	sadd.s32 s5, s7;
	[dreg:$0x0] =	wrdreg $0x0  }
0xaa: {  	s7 =	sshll.u32 s28, $0x1;
	[dreg:$0x2] =	wrdreg s5  }
0xab: {  	[dreg:$0x3] =	wrdreg s7  }
0xac: {  	[dreg:$0x4] =	wrdreg $0xC0  }
0xad: {  	_ =	task [dreg:s9], $0x5FFFF  }
0xae: {  	[dreg:$0x1] =	wrdreg $0xFFFFFFFF  }
0xaf: {  	[dreg:$0x0] =	wrdreg $0x60  }
0xb0: {  	[dreg:$0x2] =	wrdreg s24  }
0xb1: {  	[dreg:$0x3] =	wrdreg s2  }
0xb2: {  	[dreg:$0x4] =	wrdreg s18  }
0xb3: {  	[dreg:$0x5] =	wrdreg s4  }
0xb4: {  	[dreg:$0x6] =	wrdreg $0x9  }
0xb5: {  	_ =	task.clear_ibuf [dreg:s9], $0x7FFFF;
	_ =	strace $0x90000046  }
0xb6: {  	s29 =	simm.s32 $0x9;
	_ =	strace $0x80000048  }
0xb7: {  	_ =	swait.ge [sflag:s29], $0x1  }
0xb8: {  	[sflag:s29] =	ssyncadd.s32 $0xFFFFFFFF  }
0xb9: {  	_ =	strace $0x90000048  }
0xba: {  	_ =	sfence  }
0xbb: {  	s30 =	sld [smem:$0x0];
	_ =	sdelay $0x2  }
0xbc: {  	s31 =	sshll.u32 s1, $0xD;
	s1 =	sshrl.u32 s1, $0x2  }
0xbd: {  	s3 =	sand.u32 $0x4000, s31;
	s1 =	sadd.s32 s1, s30  }
0xbe: {  	s0 =	sor.u32 s3, s0;
	s1 =	sshll.u32 s1, $0x11  }
0xbf: {  	s0 =	sor.u32 s1, s0  }
0xc0: {  	s0 =	sadd.s32 $0x8F2B, s0  }
0xc1: {  	[sflag:s0] =	ssyncadd.remote.s32 $0x1  }
0xc2: {  	_ =	sfence.sel $0xFFFF  }
0xc3: {  	[dreg:$0x0] =	wrdreg $0xFFFFFFFF;
	(pc) =	sbr.abs _section_cstart, $3  }
0xc4: {  	[dreg:$0x1] =	wrdreg $0xFFFFFFFF  }
0xc5: {  	_ =	task.clear_ibuf [dreg:s9], $0x2FFFF;
	_ =	strace $0x9FFFFFFF  }
0xc6: {  	(tm) =	ssettm $0x7FFFFFFF  }
0xc7: {  	_ =	shalt  }
tec
execute0_lowered:
.L_overlay_start_1:
0x0: {  	(tag) =	ssettag $0x1  }
0x1: {  	s0 =	rddreg [dreg:$0x0]  }
0x2: {  	s1 =	rddreg [dreg:$0x1]  }
0x3: {  	s2 =	rddreg [dreg:$0x2];
	s3 =	simm.s32 $0x0;
	s4 =	srdreg.scid  }
0x4: {  	s6 =	stileid.u32;
	s12 =	simm.s32 $0x4080;
	s13 =	simm.s32 $0x1  }
0x5: {  	s14 =	simm.s32 $0x80;
	s16 =	simm.s32 $0x7080;
	s17 =	simm.s32 $0x9080  }
0x6: {  	s18 =	simm.s32 $0xB080;
	s19 =	simm.s32 $0xB180;
	s20 =	simm.s32 $0x5080  }
0x7: {  	s21 =	simm.s32 $0x6080;
	s22 =	simm.s32 $0x2;
	s23 =	simm.s32 $0x0  }
0x8: {  	[smem:$0x7FF] =	sst s3;
	s5 =	sand.u32 $0x1, s4;
	s6 =	sshll.u32 s6, $0x1  }
0x9: {  	s4 =	sadd.s32 $0xA00, s0;
	_ =	strace $0x80000047;
	s6 =	sor.u32 s5, s6  }
0xa: {  	s5 =	ssub.s32 $0x2, s5;
	s7 =	sshll.u32 s6, $0xA;
	s6 =	sshll.u32 s6, $0x9  }
0xb: {  	s8 =	sshrl.u32 s5, $0x1;
	s0 =	sadd.s32 s7, s0;
	s2 =	sadd.s32 s2, s6  }
0xc: {  	v0 =	vimm.s32 $0xFFFFFFFF;
	v1 =	vlaneseq.u32;
	s5 =	ssub.s32 s5, s8;
	s6 =	sadd.s32 s1, s6;
	[dreg:$0x5] =	wrdreg s2  }
0xd: {  	v2 =	vimm.s32 $0xFFFFFFFE;
	v3 =	vimm.f32 $0.0e+00;
	v4 =	vmul.u32 $0x10, v1;
	s7 =	sadd.s32 $0x80A00, s0;
	s8 =	sadd.s32 $0x80C00, s0;
	s9 =	smax.u32 s5, $0x1  }
.LBB2_1:
0xe: {  	s0 =	rddreg [dreg:$0x5];
	s1 =	simm.s32 $0x10  }
0xf: {  	[tilespmem:s1], [sflag:$0x1] =	stream.linear.gather [hbm4b:s0+s3], $0x1000, $0x38;
	[tilespmem:$0xB280] =	vst v63  }
0x10: {  	s26 =	simm.s32 $0x1080  }
0x11: {  	[tilespmem:s26], [sflag:$0x1] =	stream.linear.gather [hbm4b:s6+s3], $0x1000, $0x38;
	[tilespmem:$0xB280] =	vst v63  }
0x12: {  	s28 =	rddreg [dreg:$0x3]  }
0x13: {  	[tilespmem:s12], [sflag:$0x1] =	stream.linear.gather [hbm4b:s28+s3], $0x1000, $0x38;
	[tilespmem:$0xB280] =	vst v63  }
0x14: {  	_ =	swait.ge [sflag:s13], $0x1000  }
0x15: {  	[sflag:s13] =	ssyncset.done $0x0  }
0x16: {  	[sflag:s13] =	ssyncadd.s32 $0xFFFFF000  }
0x17: {  	_ =	swait.ge [sflag:s13], $0x1000  }
0x18: {  	[sflag:s13] =	ssyncset.done $0x0  }
0x19: {  	[sflag:s13] =	ssyncadd.s32 $0xFFFFF000  }
0x1a: {  	_ =	swait.ge [sflag:s13], $0x1000  }
0x1b: {  	[sflag:s13] =	ssyncset.done $0x0  }
0x1c: {  	[sflag:s13] =	ssyncadd.s32 $0xFFFFF000  }
0x1d: {  	[tilespmem:$0x0] =	vst v0  }
0x1e: {  	s29 =	simm.s32 $0x40;
	[tilespmem:$0x1010] =	vst v2  }
0x1f: {  	v5 =	vld [tilespmem:s29+$0x0]  }
0x20: {  	v6 =	vld [tilespmem:s29+$0xFFFFFFE0]  }
0x21: {  	v7 =	vld [tilespmem:s29+$0xFFFFFFD0]  }
0x22: {  	v8 =	vld [tilespmem:s29+$0xFFFFFFF0]  }
0x23: {  	s30 =	simm.s32 $0x10A0  }
0x24: {  	s31 =	simm.s32 $0x80;
	v9 =	vld [tilespmem:s30+$0x10]  }
0x25: {  	v11 =	vld [tilespmem:s31+$0x0]  }
0x26: {  	v14 =	vld [tilespmem:s31+$0xFFFFFFE0]  }
0x27: {  	v5 =	vld.idx.msk [tilespmem:v5+s12+$0x0], $0xffff  }
0x28: {  	v6 =	vld.idx.msk [tilespmem:v6+s12+$0x0], $0xffff  }
0x29: {  	v7 =	vld.idx.msk [tilespmem:v7+s12+$0x0], $0xffff  }
0x2a: {  	v10 =	vld.idx.msk [tilespmem:v8+s12+$0x0], $0xffff  }
0x2b: {  	v18 =	vld [tilespmem:s30+$0xFFFFFFF0]  }
0x2c: {  	v12 =	vshll.u32 v9, $0xB;
	v9 =	vshll.u32 v9, $0x7;
	v8 =	vld [tilespmem:s30+$0xFFFFFFE0];
	v13 =	vshll.u32 v5, $0x3  }
0x2d: {  	v15 =	vld [tilespmem:s31+$0xFFFFFFF0];
	v12 =	vand.u32 $0xFFFFC000, v12;
	v9 =	vand.u32 $0x380, v9;
	v13 =	vand.u32 $0xFFFFFC00, v13  }
0x2e: {  	v16 =	vshll.u32 v6, $0x3;
	v17 =	vshll.u32 v7, $0x3;
	v12 =	vadd.s32 v12, v13;
	v13 =	vld [tilespmem:s31+$0xFFFFFFD0]  }
0x2f: {  	v62 =	vld [tilespmem:s30+$0x0];
	v5 =	vand.u32 $0x7F, v5;
	v19 =	vshll.u32 v10, $0x3;
	v7 =	vand.u32 $0x7F, v7  }
0x30: {  	v63 =	vand.u32 $0x7F, v6;
	v6 =	vshll.u32 v18, $0xB;
	v16 =	vand.u32 $0xFFFFFC00, v16  }
0x31: {  	v9 =	vor.u32 v9, v12;
	v12 =	vshll.u32 v8, $0xB;
	v8 =	vshll.u32 v8, $0x7  }
0x32: {  	v20 =	vor.u32 v5, v9;
	v5 =	vand.u32 $0xFFFFFC00, v17;
	v9 =	vand.u32 $0xFFFFC000, v12  }
0x33: {  	s1 =	simm.s32 $0x10E0;
	v6 =	vand.u32 $0xFFFFC000, v6;
	v5 =	vadd.s32 v9, v5;
	v9 =	vand.u32 $0x380, v8;
	v8 =	vld.idx.msk [tilespmem:v11+s12+$0x0], $0xffff  }
0x34: {  	v12 =	vand.u32 $0xFFFFFC00, v19;
	v17 =	vshll.u32 v62, $0x7;
	v5 =	vor.u32 v9, v5;
	v9 =	vld [tilespmem:s1+$0x10]  }
0x35: {  	v11 =	vshll.u32 v18, $0x7;
	v21 =	vor.u32 v7, v5;
	v5 =	vld.idx.msk [tilespmem:v14+s12+$0x0], $0xffff;
	v14 =	vshll.u32 v62, $0xB  }
0x36: {  	s0 =	simm.s32 $0x20A0;
	v11 =	vand.u32 $0x380, v11;
	v14 =	vand.u32 $0xFFFFC000, v14;
	v7 =	vld.idx.msk [tilespmem:v13+s12+$0x0], $0xffff;
	v13 =	vadd.s32 v6, v16  }
0x37: {  	[tilespmem:s0+$0x10] =	vst v20;
	v14 =	vadd.s32 v14, v12;
	v6 =	vld.idx.msk [tilespmem:v15+s12+$0x0], $0xffff;
	v15 =	vand.u32 $0x380, v17;
	v13 =	vor.u32 v11, v13  }
0x38: {  	s2 =	simm.s32 $0x4;
	s5 =	simm.s32 $0xC0;
	[tilespmem:s0+$0xFFFFFFE0] =	vst v21;
	v11 =	vand.u32 $0x7F, v10;
	v10 =	vld [tilespmem:s1+$0xFFFFFFE0];
	v12 =	vor.u32 v63, v13;
	v13 =	vor.u32 v15, v14  }
.LBB2_2:
0x39: {  	v14 =	vld [tilespmem:s5+$0x0];
	s2 =	sadd.s32 $0x4, s2;
	v15 =	vshll.u32 v9, $0xB;
	v16 =	vshll.u32 v8, $0x3;
	[tilespmem:s0+$0xFFFFFFF0] =	vst v12;
	v11 =	vor.u32 v11, v13  }
0x3a: {  	v9 =	vshll.u32 v9, $0x7;
	v12 =	vld [tilespmem:s5+$0xFFFFFFE0];
	p0 =	slt.u32 s2, $0xFC;
	v13 =	vand.u32 $0xFFFFC000, v15;
	v15 =	vand.u32 $0xFFFFFC00, v16;
	[tilespmem:s0+$0x0] =	vst v11  }
0x3b: {  	v11 =	vshll.u32 v5, $0x3;
	v9 =	vand.u32 $0x380, v9;
	v16 =	vld [tilespmem:s5+$0xFFFFFFF0];
	v13 =	vadd.s32 v13, v15  }
0x3c: {  	v8 =	vand.u32 $0x7F, v8;
	v17 =	vshll.u32 v7, $0x3;
	v15 =	vld [tilespmem:s5+$0xFFFFFFD0];
	v9 =	vor.u32 v9, v13  }
0x3d: {  	s0 =	sadd.s32 $0x40, s0;
	v19 =	vshll.u32 v6, $0x3;
	v13 =	vshll.u32 v10, $0xB;
	v18 =	vld [tilespmem:s1+$0xFFFFFFF0];
	v8 =	vor.u32 v8, v9  }
0x3e: {  	v9 =	vand.u32 $0xFFFFFC00, v17;
	v17 =	vand.u32 $0xFFFFFC00, v11;
	v19 =	vand.u32 $0xFFFFFC00, v19;
	v20 =	vld [tilespmem:s1+$0x0];
	[tilespmem:s0+$0x10] =	vst v8  }
0x3f: {  	v7 =	vand.u32 $0x7F, v7;
	v10 =	vshll.u32 v10, $0x7;
	v8 =	vand.u32 $0xFFFFC000, v13  }
0x40: {  	v10 =	vand.u32 $0x380, v10;
	v13 =	vand.u32 $0x7F, v5;
	v9 =	vadd.s32 v8, v9  }
0x41: {  	v11 =	vand.u32 $0x7F, v6;
	s1 =	sadd.s32 $0x40, s1;
	v5 =	vor.u32 v10, v9;
	v8 =	vld.idx.msk [tilespmem:v14+s12+$0x0], $0xffff  }
.Ltmp0:
0x42: {  	v6 =	vor.u32 v7, v5;
	v9 =	vld [tilespmem:s1+$0x10];
	v7 =	vshll.u32 v18, $0xB;
	v10 =	vshll.u32 v18, $0x7;
	(pc) =	sbr.rel @p0 .LBB2_2-.Ltmp0, $4  }
0x43: {  	v5 =	vld.idx.msk [tilespmem:v12+s12+$0x0], $0xffff;
	[tilespmem:s0+$0xFFFFFFE0] =	vst v6;
	v6 =	vand.u32 $0xFFFFC000, v7;
	v12 =	vshll.u32 v20, $0xB;
	v14 =	vshll.u32 v20, $0x7  }
0x44: {  	v10 =	vand.u32 $0x380, v10;
	v7 =	vld.idx.msk [tilespmem:v15+s12+$0x0], $0xffff;
	v15 =	vadd.s32 v6, v17;
	v12 =	vand.u32 $0xFFFFC000, v12  }
0x45: {  	v14 =	vand.u32 $0x380, v14;
	v6 =	vld.idx.msk [tilespmem:v16+s12+$0x0], $0xffff;
	v15 =	vor.u32 v10, v15;
	v16 =	vadd.s32 v12, v19  }
0x46: {  	s5 =	sadd.s32 $0x40, s5;
	v10 =	vld [tilespmem:s1+$0xFFFFFFE0];
	v12 =	vor.u32 v13, v15;
	v13 =	vor.u32 v14, v16  }
0x47: {  	v14 =	vshll.u32 v9, $0xB  }
0x48: {  	v15 =	vshll.u32 v8, $0x3;
	v48 =	vshll.u32 v9, $0x7;
	v11 =	vor.u32 v11, v13  }
0x49: {  	v49 =	vand.u32 $0x7F, v8;
	v52 =	vld [tilespmem:s1+$0xFFFFFFF0];
	v14 =	vand.u32 $0xFFFFC000, v14;
	v15 =	vand.u32 $0xFFFFFC00, v15  }
0x4a: {  	v54 =	vld [tilespmem:s1+$0x0];
	v9 =	vand.u32 $0x380, v48;
	v56 =	vshll.u32 v5, $0x3;
	v5 =	vand.u32 $0x7F, v5  }
0x4b: {  	v14 =	vadd.s32 v14, v15;
	v50 =	vshll.u32 v7, $0x3;
	v7 =	vand.u32 $0x7F, v7  }
0x4c: {  	v9 =	vor.u32 v9, v14;
	v53 =	vand.u32 $0xFFFFFC00, v50;
	v57 =	vshll.u32 v6, $0x3  }
0x4d: {  	v51 =	vshll.u32 v10, $0xB;
	v8 =	vor.u32 v49, v9;
	v55 =	vshll.u32 v10, $0x7  }
0x4e: {  	v14 =	vand.u32 $0xFFFFC000, v51;
	v10 =	vand.u32 $0x380, v55;
	v58 =	vshll.u32 v52, $0xB  }
0x4f: {  	v15 =	vshll.u32 v52, $0x7;
	v59 =	vshll.u32 v54, $0xB;
	v9 =	vadd.s32 v14, v53  }
0x50: {  	v13 =	vshll.u32 v54, $0x7;
	v14 =	vand.u32 $0xFFFFFC00, v56;
	v9 =	vor.u32 v10, v9  }
0x51: {  	[tilespmem:s0+$0xFFFFFFF0] =	vst v12;
	v60 =	vand.u32 $0x380, v15;
	v7 =	vor.u32 v7, v9;
	v9 =	vand.u32 $0xFFFFC000, v58  }
0x52: {  	s26 =	sadd.s32 $0x40, s0;
	[tilespmem:s0+$0x0] =	vst v11;
	v12 =	vand.u32 $0xFFFFC000, v59;
	v10 =	vand.u32 $0xFFFFFC00, v57;
	v9 =	vadd.s32 v9, v14  }
0x53: {  	[tilespmem:s26+$0x10] =	vst v8;
	v63 =	vand.u32 $0x380, v13;
	v62 =	vadd.s32 v12, v10;
	v61 =	vor.u32 v60, v9  }
0x54: {  	v6 =	vand.u32 $0x7F, v6;
	[tilespmem:s26+$0xFFFFFFE0] =	vst v7;
	v7 =	vor.u32 v63, v62;
	v5 =	vor.u32 v5, v61  }
0x55: {  	[tilespmem:s26+$0xFFFFFFF0] =	vst v5;
	v5 =	vor.u32 v6, v7  }
0x56: {  	s28 =	simm.s32 $0x2080;
	s29 =	simm.s32 $0x3080;
	[tilespmem:s26+$0x0] =	vst v5  }
0x57: {  	[tilespmem:s29], [sflag:$0x1] =	stream.indirect.gather [hbm4b:s4+s14], $0x1, s28, s14, $0xb8;
	[tilespmem:$0xB280] =	vst v63  }
0x58: {  	s30 =	simm.s32 $0x2100;
	s31 =	simm.s32 $0x3100  }
0x59: {  	[tilespmem:s31], [sflag:$0x1] =	stream.indirect.gather [hbm4b:s4+s14], $0x1, s30, s14, $0xb8;
	[tilespmem:$0xB280] =	vst v63  }
0x5a: {  	s2 =	simm.s32 $0x2180;
	s5 =	simm.s32 $0x3180  }
0x5b: {  	[tilespmem:s5], [sflag:$0x1] =	stream.indirect.gather [hbm4b:s4+s14], $0x1, s2, s14, $0xb8;
	[tilespmem:$0xB280] =	vst v63  }
0x5c: {  	s10 =	simm.s32 $0x2200;
	s11 =	simm.s32 $0x3200  }
0x5d: {  	[tilespmem:s11], [sflag:$0x1] =	stream.indirect.gather [hbm4b:s4+s14], $0x1, s10, s14, $0xb8;
	[tilespmem:$0xB280] =	vst v63  }
0x5e: {  	s15 =	simm.s32 $0x2280;
	s24 =	simm.s32 $0x3280  }
0x5f: {  	[tilespmem:s24], [sflag:$0x1] =	stream.indirect.gather [hbm4b:s4+s14], $0x1, s15, s14, $0xb8;
	[tilespmem:$0xB280] =	vst v63  }
0x60: {  	s25 =	simm.s32 $0x2300;
	s26 =	simm.s32 $0x3300  }
0x61: {  	[tilespmem:s26], [sflag:$0x1] =	stream.indirect.gather [hbm4b:s4+s14], $0x1, s25, s14, $0xb8;
	[tilespmem:$0xB280] =	vst v63  }
0x62: {  	s28 =	simm.s32 $0x2380;
	s29 =	simm.s32 $0x3380  }
0x63: {  	[tilespmem:s29], [sflag:$0x1] =	stream.indirect.gather [hbm4b:s4+s14], $0x1, s28, s14, $0xb8;
	[tilespmem:$0xB280] =	vst v63  }
0x64: {  	s30 =	simm.s32 $0x2400;
	s31 =	simm.s32 $0x3400  }
0x65: {  	[tilespmem:s31], [sflag:$0x1] =	stream.indirect.gather [hbm4b:s4+s14], $0x1, s30, s14, $0xb8;
	[tilespmem:$0xB280] =	vst v63  }
0x66: {  	s2 =	simm.s32 $0x2480;
	s5 =	simm.s32 $0x3480  }
0x67: {  	[tilespmem:s5], [sflag:$0x1] =	stream.indirect.gather [hbm4b:s4+s14], $0x1, s2, s14, $0xb8;
	[tilespmem:$0xB280] =	vst v63  }
0x68: {  	s10 =	simm.s32 $0x2500;
	s11 =	simm.s32 $0x3500  }
0x69: {  	[tilespmem:s11], [sflag:$0x1] =	stream.indirect.gather [hbm4b:s4+s14], $0x1, s10, s14, $0xb8;
	[tilespmem:$0xB280] =	vst v63  }
0x6a: {  	s15 =	simm.s32 $0x2580;
	s24 =	simm.s32 $0x3580  }
0x6b: {  	[tilespmem:s24], [sflag:$0x1] =	stream.indirect.gather [hbm4b:s4+s14], $0x1, s15, s14, $0xb8;
	[tilespmem:$0xB280] =	vst v63  }
0x6c: {  	s25 =	simm.s32 $0x2600;
	s26 =	simm.s32 $0x3600  }
0x6d: {  	[tilespmem:s26], [sflag:$0x1] =	stream.indirect.gather [hbm4b:s4+s14], $0x1, s25, s14, $0xb8;
	[tilespmem:$0xB280] =	vst v63  }
0x6e: {  	s28 =	simm.s32 $0x2680;
	s29 =	simm.s32 $0x3680  }
0x6f: {  	[tilespmem:s29], [sflag:$0x1] =	stream.indirect.gather [hbm4b:s4+s14], $0x1, s28, s14, $0xb8;
	[tilespmem:$0xB280] =	vst v63  }
0x70: {  	s30 =	simm.s32 $0x2700;
	s31 =	simm.s32 $0x3700  }
0x71: {  	[tilespmem:s31], [sflag:$0x1] =	stream.indirect.gather [hbm4b:s4+s14], $0x1, s30, s14, $0xb8;
	[tilespmem:$0xB280] =	vst v63  }
0x72: {  	s2 =	simm.s32 $0x2780;
	s5 =	simm.s32 $0x3780  }
0x73: {  	[tilespmem:s5], [sflag:$0x1] =	stream.indirect.gather [hbm4b:s4+s14], $0x1, s2, s14, $0xb8;
	[tilespmem:$0xB280] =	vst v63  }
0x74: {  	s10 =	simm.s32 $0x2800;
	s11 =	simm.s32 $0x3800  }
0x75: {  	[tilespmem:s11], [sflag:$0x1] =	stream.indirect.gather [hbm4b:s4+s14], $0x1, s10, s14, $0xb8;
	[tilespmem:$0xB280] =	vst v63  }
0x76: {  	s15 =	simm.s32 $0x2880;
	s24 =	simm.s32 $0x3880  }
0x77: {  	[tilespmem:s24], [sflag:$0x1] =	stream.indirect.gather [hbm4b:s4+s14], $0x1, s15, s14, $0xb8;
	[tilespmem:$0xB280] =	vst v63  }
0x78: {  	s25 =	simm.s32 $0x2900;
	s26 =	simm.s32 $0x3900  }
0x79: {  	[tilespmem:s26], [sflag:$0x1] =	stream.indirect.gather [hbm4b:s4+s14], $0x1, s25, s14, $0xb8;
	[tilespmem:$0xB280] =	vst v63  }
0x7a: {  	s28 =	simm.s32 $0x2980;
	s29 =	simm.s32 $0x3980  }
0x7b: {  	[tilespmem:s29], [sflag:$0x1] =	stream.indirect.gather [hbm4b:s4+s14], $0x1, s28, s14, $0xb8;
	[tilespmem:$0xB280] =	vst v63  }
0x7c: {  	s30 =	simm.s32 $0x2A00;
	s31 =	simm.s32 $0x3A00  }
0x7d: {  	[tilespmem:s31], [sflag:$0x1] =	stream.indirect.gather [hbm4b:s4+s14], $0x1, s30, s14, $0xb8;
	[tilespmem:$0xB280] =	vst v63  }
0x7e: {  	s2 =	simm.s32 $0x2A80;
	s5 =	simm.s32 $0x3A80  }
0x7f: {  	[tilespmem:s5], [sflag:$0x1] =	stream.indirect.gather [hbm4b:s4+s14], $0x1, s2, s14, $0xb8;
	[tilespmem:$0xB280] =	vst v63  }
0x80: {  	s10 =	simm.s32 $0x2B00;
	s11 =	simm.s32 $0x3B00  }
0x81: {  	[tilespmem:s11], [sflag:$0x1] =	stream.indirect.gather [hbm4b:s4+s14], $0x1, s10, s14, $0xb8;
	[tilespmem:$0xB280] =	vst v63  }
0x82: {  	s15 =	simm.s32 $0x2B80;
	s24 =	simm.s32 $0x3B80  }
0x83: {  	[tilespmem:s24], [sflag:$0x1] =	stream.indirect.gather [hbm4b:s4+s14], $0x1, s15, s14, $0xb8;
	[tilespmem:$0xB280] =	vst v63  }
0x84: {  	s25 =	simm.s32 $0x2C00;
	s26 =	simm.s32 $0x3C00  }
0x85: {  	[tilespmem:s26], [sflag:$0x1] =	stream.indirect.gather [hbm4b:s4+s14], $0x1, s25, s14, $0xb8;
	[tilespmem:$0xB280] =	vst v63  }
0x86: {  	s28 =	simm.s32 $0x2C80;
	s29 =	simm.s32 $0x3C80  }
0x87: {  	[tilespmem:s29], [sflag:$0x1] =	stream.indirect.gather [hbm4b:s4+s14], $0x1, s28, s14, $0xb8;
	[tilespmem:$0xB280] =	vst v63  }
0x88: {  	s30 =	simm.s32 $0x2D00;
	s31 =	simm.s32 $0x3D00  }
0x89: {  	[tilespmem:s31], [sflag:$0x1] =	stream.indirect.gather [hbm4b:s4+s14], $0x1, s30, s14, $0xb8;
	[tilespmem:$0xB280] =	vst v63  }
0x8a: {  	s2 =	simm.s32 $0x2D80;
	s5 =	simm.s32 $0x3D80  }
0x8b: {  	[tilespmem:s5], [sflag:$0x1] =	stream.indirect.gather [hbm4b:s4+s14], $0x1, s2, s14, $0xb8;
	[tilespmem:$0xB280] =	vst v63  }
0x8c: {  	s10 =	simm.s32 $0x2E00;
	s11 =	simm.s32 $0x3E00  }
0x8d: {  	[tilespmem:s11], [sflag:$0x1] =	stream.indirect.gather [hbm4b:s4+s14], $0x1, s10, s14, $0xb8;
	[tilespmem:$0xB280] =	vst v63  }
0x8e: {  	s15 =	simm.s32 $0x2E80;
	s24 =	simm.s32 $0x3E80  }
0x8f: {  	[tilespmem:s24], [sflag:$0x1] =	stream.indirect.gather [hbm4b:s4+s14], $0x1, s15, s14, $0xb8;
	[tilespmem:$0xB280] =	vst v63  }
0x90: {  	s25 =	simm.s32 $0x2F00;
	s26 =	simm.s32 $0x3F00  }
0x91: {  	[tilespmem:s26], [sflag:$0x1] =	stream.indirect.gather [hbm4b:s4+s14], $0x1, s25, s14, $0xb8;
	[tilespmem:$0xB280] =	vst v63  }
0x92: {  	s28 =	simm.s32 $0x2F80;
	s29 =	simm.s32 $0x3F80  }
0x93: {  	[tilespmem:s29], [sflag:$0x1] =	stream.indirect.gather [hbm4b:s4+s14], $0x1, s28, s14, $0xb8;
	[tilespmem:$0xB280] =	vst v63  }
0x94: {  	s0 =	simm.s32 $0x50C0;
	s30 =	simm.s32 $0x3000;
	s31 =	simm.s32 $0x4000  }
0x95: {  	[tilespmem:s31], [sflag:$0x1] =	stream.indirect.gather [hbm4b:s4+s14], $0x1, s30, s14, $0xb8;
	[tilespmem:$0xB280] =	vst v63  }
0x96: {  	[tilespmem:s0+$0x30] =	vst v3  }
0x97: {  	[tilespmem:s0+$0xFFFFFFF0] =	vst v3  }
0x98: {  	[tilespmem:s0+$0xFFFFFFC0] =	vst v3  }
0x99: {  	[tilespmem:s0+$0xFFFFFFE0] =	vst v3  }
0x9a: {  	[tilespmem:s0+$0x10] =	vst v3  }
0x9b: {  	[tilespmem:s0+$0x20] =	vst v3  }
0x9c: {  	[tilespmem:s0+$0x0] =	vst v3  }
0x9d: {  	s1 =	simm.s32 $0x60C0;
	[tilespmem:s0+$0xFFFFFFD0] =	vst v3  }
0x9e: {  	[tilespmem:s1+$0xFFFFFFC0] =	vst v3  }
0x9f: {  	[tilespmem:s1+$0x30] =	vst v3  }
0xa0: {  	[tilespmem:s1+$0x20] =	vst v3  }
0xa1: {  	[tilespmem:s1+$0x10] =	vst v3  }
0xa2: {  	[tilespmem:s1+$0xFFFFFFE0] =	vst v3  }
0xa3: {  	[tilespmem:s1+$0x0] =	vst v3  }
0xa4: {  	s2 =	simm.s32 $0x0;
	[tilespmem:s1+$0xFFFFFFF0] =	vst v3  }
.LBB2_4:
0xa5: {  	s2 =	sadd.s32 $0x8, s2;
	[tilespmem:s1+$0xFFFFFFD0] =	vst v3;
	s0 =	sadd.s32 $0x80, s0;
	s1 =	sadd.s32 $0x80, s1  }
0xa6: {  	[tilespmem:s0+$0x30] =	vst v3;
	p0 =	slt.u32 s2, $0xF8  }
0xa7: {  	[tilespmem:s0+$0xFFFFFFF0] =	vst v3  }
0xa8: {  	[tilespmem:s0+$0xFFFFFFC0] =	vst v3  }
0xa9: {  	[tilespmem:s1+$0xFFFFFFC0] =	vst v3  }
0xaa: {  	[tilespmem:s1+$0x30] =	vst v3  }
0xab: {  	[tilespmem:s0+$0xFFFFFFE0] =	vst v3  }
0xac: {  	[tilespmem:s0+$0x10] =	vst v3  }
0xad: {  	[tilespmem:s0+$0x20] =	vst v3  }
0xae: {  	[tilespmem:s1+$0x20] =	vst v3  }
0xaf: {  	[tilespmem:s1+$0x10] =	vst v3  }
.Ltmp1:
0xb0: {  	[tilespmem:s1+$0xFFFFFFE0] =	vst v3;
	(pc) =	sbr.rel @p0 .LBB2_4-.Ltmp1, $4  }
0xb1: {  	[tilespmem:s0+$0x0] =	vst v3  }
0xb2: {  	[tilespmem:s1+$0x0] =	vst v3  }
0xb3: {  	[tilespmem:s1+$0xFFFFFFF0] =	vst v3  }
0xb4: {  	[tilespmem:s0+$0xFFFFFFD0] =	vst v3  }
0xb5: {  	[tilespmem:s1+$0xFFFFFFD0] =	vst v3  }
0xb6: {  	_ =	swait.ge [sflag:s13], $0x80  }
0xb7: {  	[sflag:s13] =	ssyncset.done $0x0  }
0xb8: {  	[sflag:s13] =	ssyncadd.s32 $0xFFFFFF80  }
0xb9: {  	_ =	swait.ge [sflag:s13], $0x80  }
0xba: {  	[sflag:s13] =	ssyncset.done $0x0  }
0xbb: {  	[sflag:s13] =	ssyncadd.s32 $0xFFFFFF80  }
0xbc: {  	_ =	swait.ge [sflag:s13], $0x80  }
0xbd: {  	[sflag:s13] =	ssyncset.done $0x0  }
0xbe: {  	[sflag:s13] =	ssyncadd.s32 $0xFFFFFF80  }
0xbf: {  	_ =	swait.ge [sflag:s13], $0x80  }
0xc0: {  	[sflag:s13] =	ssyncset.done $0x0  }
0xc1: {  	[sflag:s13] =	ssyncadd.s32 $0xFFFFFF80  }
0xc2: {  	_ =	swait.ge [sflag:s13], $0x80  }
0xc3: {  	[sflag:s13] =	ssyncset.done $0x0  }
0xc4: {  	[sflag:s13] =	ssyncadd.s32 $0xFFFFFF80  }
0xc5: {  	_ =	swait.ge [sflag:s13], $0x80  }
0xc6: {  	[sflag:s13] =	ssyncset.done $0x0  }
0xc7: {  	[sflag:s13] =	ssyncadd.s32 $0xFFFFFF80  }
0xc8: {  	_ =	swait.ge [sflag:s13], $0x80  }
0xc9: {  	[sflag:s13] =	ssyncset.done $0x0  }
0xca: {  	[sflag:s13] =	ssyncadd.s32 $0xFFFFFF80  }
0xcb: {  	_ =	swait.ge [sflag:s13], $0x80  }
0xcc: {  	[sflag:s13] =	ssyncset.done $0x0  }
0xcd: {  	[sflag:s13] =	ssyncadd.s32 $0xFFFFFF80  }
0xce: {  	_ =	swait.ge [sflag:s13], $0x80  }
0xcf: {  	[sflag:s13] =	ssyncset.done $0x0  }
0xd0: {  	[sflag:s13] =	ssyncadd.s32 $0xFFFFFF80  }
0xd1: {  	_ =	swait.ge [sflag:s13], $0x80  }
0xd2: {  	[sflag:s13] =	ssyncset.done $0x0  }
0xd3: {  	[sflag:s13] =	ssyncadd.s32 $0xFFFFFF80  }
0xd4: {  	_ =	swait.ge [sflag:s13], $0x80  }
0xd5: {  	[sflag:s13] =	ssyncset.done $0x0  }
0xd6: {  	[sflag:s13] =	ssyncadd.s32 $0xFFFFFF80  }
0xd7: {  	_ =	swait.ge [sflag:s13], $0x80  }
0xd8: {  	[sflag:s13] =	ssyncset.done $0x0  }
0xd9: {  	[sflag:s13] =	ssyncadd.s32 $0xFFFFFF80  }
0xda: {  	_ =	swait.ge [sflag:s13], $0x80  }
0xdb: {  	[sflag:s13] =	ssyncset.done $0x0  }
0xdc: {  	[sflag:s13] =	ssyncadd.s32 $0xFFFFFF80  }
0xdd: {  	_ =	swait.ge [sflag:s13], $0x80  }
0xde: {  	[sflag:s13] =	ssyncset.done $0x0  }
0xdf: {  	[sflag:s13] =	ssyncadd.s32 $0xFFFFFF80  }
0xe0: {  	_ =	swait.ge [sflag:s13], $0x80  }
0xe1: {  	[sflag:s13] =	ssyncset.done $0x0  }
0xe2: {  	[sflag:s13] =	ssyncadd.s32 $0xFFFFFF80  }
0xe3: {  	_ =	swait.ge [sflag:s13], $0x80  }
0xe4: {  	[sflag:s13] =	ssyncset.done $0x0  }
0xe5: {  	[sflag:s13] =	ssyncadd.s32 $0xFFFFFF80  }
0xe6: {  	_ =	swait.ge [sflag:s13], $0x80  }
0xe7: {  	[sflag:s13] =	ssyncset.done $0x0  }
0xe8: {  	[sflag:s13] =	ssyncadd.s32 $0xFFFFFF80  }
0xe9: {  	_ =	swait.ge [sflag:s13], $0x80  }
0xea: {  	[sflag:s13] =	ssyncset.done $0x0  }
0xeb: {  	[sflag:s13] =	ssyncadd.s32 $0xFFFFFF80  }
0xec: {  	_ =	swait.ge [sflag:s13], $0x80  }
0xed: {  	[sflag:s13] =	ssyncset.done $0x0  }
0xee: {  	[sflag:s13] =	ssyncadd.s32 $0xFFFFFF80  }
0xef: {  	_ =	swait.ge [sflag:s13], $0x80  }
0xf0: {  	[sflag:s13] =	ssyncset.done $0x0  }
0xf1: {  	[sflag:s13] =	ssyncadd.s32 $0xFFFFFF80  }
0xf2: {  	_ =	swait.ge [sflag:s13], $0x80  }
0xf3: {  	[sflag:s13] =	ssyncset.done $0x0  }
0xf4: {  	[sflag:s13] =	ssyncadd.s32 $0xFFFFFF80  }
0xf5: {  	_ =	swait.ge [sflag:s13], $0x80  }
0xf6: {  	[sflag:s13] =	ssyncset.done $0x0  }
0xf7: {  	[sflag:s13] =	ssyncadd.s32 $0xFFFFFF80  }
0xf8: {  	_ =	swait.ge [sflag:s13], $0x80  }
0xf9: {  	[sflag:s13] =	ssyncset.done $0x0  }
0xfa: {  	[sflag:s13] =	ssyncadd.s32 $0xFFFFFF80  }
0xfb: {  	_ =	swait.ge [sflag:s13], $0x80  }
0xfc: {  	[sflag:s13] =	ssyncset.done $0x0  }
0xfd: {  	[sflag:s13] =	ssyncadd.s32 $0xFFFFFF80  }
0xfe: {  	_ =	swait.ge [sflag:s13], $0x80  }
0xff: {  	[sflag:s13] =	ssyncset.done $0x0  }
0x100: {  	[sflag:s13] =	ssyncadd.s32 $0xFFFFFF80  }
0x101: {  	_ =	swait.ge [sflag:s13], $0x80  }
0x102: {  	[sflag:s13] =	ssyncset.done $0x0  }
0x103: {  	[sflag:s13] =	ssyncadd.s32 $0xFFFFFF80  }
0x104: {  	_ =	swait.ge [sflag:s13], $0x80  }
0x105: {  	[sflag:s13] =	ssyncset.done $0x0  }
0x106: {  	[sflag:s13] =	ssyncadd.s32 $0xFFFFFF80  }
0x107: {  	_ =	swait.ge [sflag:s13], $0x80  }
0x108: {  	[sflag:s13] =	ssyncset.done $0x0  }
0x109: {  	[sflag:s13] =	ssyncadd.s32 $0xFFFFFF80  }
0x10a: {  	_ =	swait.ge [sflag:s13], $0x80  }
0x10b: {  	[sflag:s13] =	ssyncset.done $0x0  }
0x10c: {  	[sflag:s13] =	ssyncadd.s32 $0xFFFFFF80  }
0x10d: {  	_ =	swait.ge [sflag:s13], $0x80  }
0x10e: {  	[sflag:s13] =	ssyncset.done $0x0  }
0x10f: {  	[sflag:s13] =	ssyncadd.s32 $0xFFFFFF80  }
0x110: {  	_ =	swait.ge [sflag:s13], $0x80  }
0x111: {  	[sflag:s13] =	ssyncset.done $0x0  }
0x112: {  	[sflag:s13] =	ssyncadd.s32 $0xFFFFFF80  }
0x113: {  	_ =	swait.ge [sflag:s13], $0x80  }
0x114: {  	[sflag:s13] =	ssyncset.done $0x0  }
0x115: {  	s0 =	simm.s32 $0x30A0;
	[sflag:s13] =	ssyncadd.s32 $0xFFFFFF80  }
0x116: {  	v5 =	vld [tilespmem:s0+$0xFFFFFFE0]  }
0x117: {  	v6 =	vld [tilespmem:s0+$0x0];
	_ =	sdelay $0x3  }
0x118: {  	v7 =	vmul.f32 $1.442695020e+00, v5  }
0x119: {  	v9 =	vmul.f32 $1.442695020e+00, v6  }
0x11a: {  	v8 =	vld [tilespmem:s0+$0x10];
	(erf) = vpow2.f32 v7  }
0x11b: {  	(erf) = vpow2.f32 v9;
	_ =	sdelay $0x2  }
0x11c: {  	v9 =	vld [tilespmem:s0+$0xFFFFFFF0]  }
0x11d: {  	v7 =	vmul.f32 $1.442695020e+00, v8  }
0x11e: {  	s26 =	simm.s32 $0x30E0  }
0x11f: {  	v10 =	vld [tilespmem:s26+$0xFFFFFFE0];
	(erf) = vpow2.f32 v7;
	_ =	sdelay $0x1  }
0x120: {  	v16 =	vld [tilespmem:s26+$0x0];
	v7 =	vmul.f32 $1.442695020e+00, v9;
	v11 =	vpop (erf)  }
0x121: {  	v20 =	vpop (erf)  }
0x122: {  	(erf) = vpow2.f32 v7;
	v21 =	vmul.f32 v20, v6  }
0x123: {  	(xrf2) =	vadd.scan.msk.f32 $0xffff, v11;
	v22 =	vmul.f32 v11, v5;
	v5 =	vmul.f32 $1.442695020e+00, v10  }
0x124: {  	(xrf2) =	vadd.scan.msk.f32 $0xffff, v21  }
0x125: {  	v23 =	vld [tilespmem:s26+$0x10];
	(erf) = vpow2.f32 v5;
	v5 =	vmul.f32 $1.442695020e+00, v16;
	_ =	sdelay $0x1  }
0x126: {  	v24 =	vld [tilespmem:s26+$0xFFFFFFF0];
	v7 =	vpop (erf);
	(xrf2) =	vadd.scan.msk.f32 $0xffff, v22;
	(erf) = vpow2.f32 v5  }
0x127: {  	(xrf2) =	vadd.scan.msk.f32 $0xffff, v7;
	_ =	sdelay $0x1  }
0x128: {  	v6 =	vmul.f32 $1.442695020e+00, v23  }
0x129: {  	v26 =	vmul.f32 v7, v8  }
0x12a: {  	v5 =	vmul.f32 $1.442695020e+00, v24;
	(erf) = vpow2.f32 v6;
	(xrf2) =	vadd.scan.msk.f32 $0xffff, v20;
	v12 =	vpop (erf)  }
0x12b: {  	v25, _, _ =	vpop (xrf2)  }
0x12c: {  	(erf) = vpow2.f32 v5;
	v15, _, _ =	vpop (xrf2);
	(xrf2) =	vadd.scan.msk.f32 $0xffff, v26  }
0x12d: {  	v6 =	vpop (erf)  }
0x12e: {  	v5 =	vpop (erf)  }
0x12f: {  	v27, _, _ =	vpop (xrf2)  }
0x130: {  	s1 =	simm.s32 $0x70A0;
	v8, _, _ =	vpop (xrf2)  }
0x131: {  	s10 =	simm.s32 $0x3120;
	(xrf2) =	vadd.scan.msk.f32 $0xffff, v6;
	v7 =	vsub.f32 v8, v7;
	[tilespmem:s1+$0x10] =	vst v8;
	v8 =	vmul.f32 v5, v16  }
0x132: {  	v18 =	vld [tilespmem:s10+$0xFFFFFFE0]  }
0x133: {  	v19 =	vld [tilespmem:s10+$0x0];
	[tilespmem:s1+$0xFFFFFFE0] =	vst v25;
	v25 =	vsub.f32 v25, v11;
	v14 =	vpop (erf);
	(xrf2) =	vadd.scan.msk.f32 $0xffff, v8  }
0x134: {  	s0 =	simm.s32 $0x80A0;
	v17 =	vmul.f32 v12, v9;
	v28, _, _ =	vpop (xrf2)  }
0x135: {  	v13 =	vld [tilespmem:s10+$0x10];
	[tilespmem:s0+$0xFFFFFFE0] =	vst v25;
	v9 =	vpop (erf)  }
0x136: {  	s11 =	simm.s32 $0x90A0;
	v29 =	vsub.f32 v27, v22;
	[tilespmem:s0+$0x10] =	vst v7;
	v7 =	vld [tilespmem:s10+$0xFFFFFFF0];
	v22, _, _ =	vpop (xrf2);
	(xrf2) =	vadd.scan.msk.f32 $0xffff, v17  }
0x137: {  	[tilespmem:s11+$0xFFFFFFE0] =	vst v27;
	v16 =	vmul.f32 v9, v24;
	v24 =	vmul.f32 $1.442695020e+00, v18  }
0x138: {  	s15 =	simm.s32 $0xA0A0;
	v10 =	vmul.f32 v6, v10;
	v25 =	vmul.f32 $1.442695020e+00, v19;
	[tilespmem:s1+$0x0] =	vst v28  }
0x139: {  	s29 =	simm.s32 $0x80E0;
	s30 =	simm.s32 $0x70E0;
	s25 =	simm.s32 $0xA0E0;
	[tilespmem:s15+$0xFFFFFFE0] =	vst v29;
	(erf) = vpow2.f32 v24;
	v26 =	vsub.f32 v22, v26;
	(xrf2) =	vadd.scan.msk.f32 $0xffff, v12  }
0x13a: {  	s28 =	simm.s32 $0x90E0;
	s24 =	simm.s32 $0x8120;
	s2 =	simm.s32 $0x90E0;
	v11 =	vmul.f32 v14, v23;
	v23 =	vmul.f32 $1.442695020e+00, v13;
	v24 =	vsub.f32 v28, v20;
	[tilespmem:s11+$0x10] =	vst v22  }
0x13b: {  	s5 =	simm.s32 $0x8;
	s31 =	simm.s32 $0xA0E0;
	s26 =	simm.s32 $0x7120;
	v21 =	vsub.f32 v15, v21;
	(erf) = vpow2.f32 v25;
	v22 =	vmul.f32 $1.442695020e+00, v7;
	v20, _, _ =	vpop (xrf2);
	[tilespmem:s15+$0x10] =	vst v26  }
.LBB2_6:
0x13c: {  	s5 =	sadd.s32 $0x4, s5;
	(erf) = vpow2.f32 v23;
	s25 =	sadd.s32 $0x40, s25;
	s28 =	sadd.s32 $0x40, s28;
	(xrf2) =	vadd.scan.msk.f32 $0xffff, v10;
	[tilespmem:s0+$0x0] =	vst v24  }
0x13d: {  	p0 =	slt.u32 s5, $0xFC;
	[tilespmem:s11+$0x0] =	vst v15;
	v15, _, _ =	vpop (xrf2)  }
0x13e: {  	(erf) = vpow2.f32 v22;
	[tilespmem:s15+$0x0] =	vst v21  }
0x13f: {  	(xrf2) =	vadd.scan.msk.f32 $0xffff, v14  }
0x140: {  	v21, _, _ =	vpop (xrf2);
	_ =	sdelay $0x1  }
0x141: {  	v23 =	vsub.f32 v21, v17;
	v17 =	vmov v16;
	v22 =	vpop (erf);
	(xrf2) =	vadd.scan.msk.f32 $0xffff, v5  }
0x142: {  	v16, _, _ =	vpop (xrf2)  }
0x143: {  	v25 =	vpop (erf);
	[tilespmem:s1+$0xFFFFFFF0] =	vst v16;
	v16 =	vsub.f32 v16, v12;
	v12 =	vmov v9;
	s1 =	smov.u32 s30;
	s30 =	smov.u32 s26  }
0x144: {  	v18 =	vmul.f32 v22, v18;
	v24 =	vpop (erf);
	(xrf2) =	vadd.scan.msk.f32 $0xffff, v11  }
0x145: {  	v26 =	vmul.f32 v24, v13;
	v27, _, _ =	vpop (xrf2);
	[tilespmem:s0+$0xFFFFFFF0] =	vst v16;
	s0 =	smov.u32 s29;
	s29 =	smov.u32 s24  }
0x146: {  	v13 =	vmul.f32 v25, v19;
	v9 =	vpop (erf);
	v28 =	vsub.f32 v27, v10;
	[tilespmem:s11+$0xFFFFFFF0] =	vst v21;
	v10 =	vmov v18;
	s11 =	smov.u32 s2;
	s2 =	smov.u32 s28  }
0x147: {  	s10 =	sadd.s32 $0x40, s10;
	v21 =	vsub.f32 v15, v8;
	v16 =	vmul.f32 v9, v7;
	(xrf2) =	vadd.scan.msk.f32 $0xffff, v22;
	[tilespmem:s15+$0xFFFFFFF0] =	vst v23;
	s15 =	smov.u32 s31;
	s31 =	smov.u32 s25  }
0x148: {  	v8 =	vmov v13;
	v18 =	vld [tilespmem:s10+$0xFFFFFFE0];
	v7, _, _ =	vpop (xrf2)  }
0x149: {  	v13 =	vld [tilespmem:s10+$0x10];
	[tilespmem:s1+$0x10] =	vst v7;
	v29 =	vsub.f32 v7, v14;
	v14 =	vmov v24  }
0x14a: {  	v19 =	vld [tilespmem:s10+$0x0];
	(xrf2) =	vadd.scan.msk.f32 $0xffff, v8  }
0x14b: {  	v7 =	vld [tilespmem:s10+$0xFFFFFFF0];
	[tilespmem:s0+$0x10] =	vst v29;
	v23, _, _ =	vpop (xrf2)  }
0x14c: {  	v29 =	vsub.f32 v20, v6;
	v6 =	vmovc v22;
	[tilespmem:s1+$0xFFFFFFE0] =	vst v20;
	v24 =	vsub.f32 v23, v5;
	v5 =	vmov v25  }
0x14d: {  	v25 =	vmul.f32 $1.442695020e+00, v18;
	[tilespmem:s1+$0x0] =	vst v23;
	(xrf2) =	vadd.scan.msk.f32 $0xffff, v17  }
.Ltmp2:
0x14e: {  	v23 =	vmul.f32 $1.442695020e+00, v13;
	[tilespmem:s0+$0xFFFFFFE0] =	vst v29;
	v20, _, _ =	vpop (xrf2);
	(pc) =	sbr.rel @p0 .LBB2_6-.Ltmp2, $4  }
0x14f: {  	v29 =	vmul.f32 $1.442695020e+00, v19;
	[tilespmem:s11+$0xFFFFFFE0] =	vst v27;
	v27 =	vsub.f32 v20, v11;
	v11 =	vmov v26  }
0x150: {  	v22 =	vmul.f32 $1.442695020e+00, v7;
	(erf) = vpow2.f32 v25;
	[tilespmem:s11+$0x10] =	vst v20;
	(xrf2) =	vadd.scan.msk.f32 $0xffff, v12  }
0x151: {  	v20, _, _ =	vpop (xrf2);
	[tilespmem:s15+$0xFFFFFFE0] =	vst v28  }
0x152: {  	s26 =	sadd.s32 $0x40, s26;
	s24 =	sadd.s32 $0x40, s24;
	(erf) = vpow2.f32 v29;
	[tilespmem:s15+$0x10] =	vst v27  }
0x153: {  	_ = 	snop  }
0x154: {  	(xrf2) =	vadd.scan.msk.f32 $0xffff, v10  }
0x155: {  	(xrf2) =	vadd.scan.msk.f32 $0xffff, v14;
	_ =	sdelay $0x1  }
0x156: {  	v25, _, _ =	vpop (xrf2)  }
0x157: {  	[tilespmem:s0+$0x0] =	vst v24;
	(xrf2) =	vadd.scan.msk.f32 $0xffff, v5;
	v26, _, _ =	vpop (xrf2)  }
0x158: {  	[tilespmem:s30+$0xFFFFFFE0] =	vst v20;
	v43 =	vpop (erf)  }
0x159: {  	v6 =	vsub.f32 v20, v6;
	[tilespmem:s11+$0x0] =	vst v15;
	(erf) = vpow2.f32 v23;
	v44, _, _ =	vpop (xrf2)  }
0x15a: {  	[tilespmem:s15+$0x0] =	vst v21;
	(xrf2) =	vadd.scan.msk.f32 $0xffff, v11;
	v45 =	vpop (erf)  }
0x15b: {  	[tilespmem:s29+$0xFFFFFFE0] =	vst v6;
	v12 =	vsub.f32 v44, v12;
	v46 =	vmul.f32 v45, v19  }
0x15c: {  	(xrf2) =	vadd.scan.msk.f32 $0xffff, v43;
	[tilespmem:s1+$0xFFFFFFF0] =	vst v44  }
0x15d: {  	v47, _, _ =	vpop (xrf2);
	[tilespmem:s0+$0xFFFFFFF0] =	vst v12;
	(xrf2) =	vadd.scan.msk.f32 $0xffff, v46  }
0x15e: {  	v17 =	vsub.f32 v26, v17;
	[tilespmem:s11+$0xFFFFFFF0] =	vst v26;
	v48, _, _ =	vpop (xrf2);
	(xrf2) =	vadd.scan.msk.f32 $0xffff, v16  }
0x15f: {  	[tilespmem:s2+$0xFFFFFFE0] =	vst v47;
	(xrf2) =	vadd.scan.msk.f32 $0xffff, v9  }
0x160: {  	v50 =	vmul.f32 v43, v18;
	[tilespmem:s15+$0xFFFFFFF0] =	vst v17  }
0x161: {  	(erf) = vpow2.f32 v22;
	v53 =	vsub.f32 v47, v10;
	[tilespmem:s30+$0x10] =	vst v48;
	v51, _, _ =	vpop (xrf2)  }
0x162: {  	v49 =	vsub.f32 v48, v14;
	[tilespmem:s30+$0x0] =	vst v51;
	(xrf2) =	vadd.scan.msk.f32 $0xffff, v50;
	v52 =	vpop (erf)  }
0x163: {  	[tilespmem:s31+$0xFFFFFFE0] =	vst v53;
	(xrf2) =	vadd.scan.msk.f32 $0xffff, v52  }
0x164: {  	v5 =	vsub.f32 v51, v5;
	[tilespmem:s29+$0x10] =	vst v49;
	v6, _, _ =	vpop (xrf2)  }
0x165: {  	[tilespmem:s2+$0x10] =	vst v6  }
0x166: {  	v54 =	vsub.f32 v6, v11;
	[tilespmem:s29+$0x0] =	vst v5;
	v6, _, _ =	vpop (xrf2)  }
0x167: {  	v8 =	vsub.f32 v25, v8;
	[tilespmem:s2+$0x0] =	vst v25;
	v55, _, _ =	vpop (xrf2)  }
0x168: {  	v13 =	vmul.f32 v52, v13;
	[tilespmem:s31+$0x10] =	vst v54;
	(xrf2) =	vadd.scan.msk.f32 $0xffff, v45;
	v56, _, _ =	vpop (xrf2)  }
0x169: {  	[tilespmem:s31+$0x0] =	vst v8;
	v5, _, _ =	vpop (xrf2)  }
0x16a: {  	v58 =	vpop (erf);
	(xrf2) =	vadd.scan.msk.f32 $0xffff, v13;
	[tilespmem:s26+$0xFFFFFFE0] =	vst v6;
	v57 =	vsub.f32 v5, v9  }
0x16b: {  	[tilespmem:s30+$0xFFFFFFF0] =	vst v5;
	v5 =	vmul.f32 v58, v7  }
0x16c: {  	v7 =	vsub.f32 v56, v16;
	v59, _, _ =	vpop (xrf2);
	[tilespmem:s29+$0xFFFFFFF0] =	vst v57  }
0x16d: {  	v6 =	vsub.f32 v6, v43;
	v60, _, _ =	vpop (xrf2);
	(xrf2) =	vadd.scan.msk.f32 $0xffff, v5;
	[tilespmem:s2+$0xFFFFFFF0] =	vst v56  }
0x16e: {  	(xrf2) =	vadd.scan.msk.f32 $0xffff, v58;
	[tilespmem:s31+$0xFFFFFFF0] =	vst v7;
	v7 =	vsub.f32 v60, v52  }
0x16f: {  	[tilespmem:s24+$0xFFFFFFE0] =	vst v6  }
0x170: {  	[tilespmem:s26+$0x10] =	vst v60;
	s31 =	sadd.s32 $0x40, s28  }
0x171: {  	[tilespmem:s31+$0xFFFFFFE0] =	vst v59  }
0x172: {  	v6 =	vsub.f32 v59, v50;
	[tilespmem:s24+$0x10] =	vst v7;
	v7, _, _ =	vpop (xrf2)  }
0x173: {  	s5 =	sadd.s32 $0x40, s25;
	[tilespmem:s26+$0x0] =	vst v7;
	v7 =	vsub.f32 v7, v45  }
0x174: {  	[tilespmem:s5+$0xFFFFFFE0] =	vst v6;
	v61, _, _ =	vpop (xrf2)  }
0x175: {  	v62 =	vsub.f32 v61, v13;
	[tilespmem:s31+$0x10] =	vst v61  }
0x176: {  	[tilespmem:s24+$0x0] =	vst v7  }
0x177: {  	v6 =	vsub.f32 v55, v46;
	[tilespmem:s5+$0x10] =	vst v62;
	v7, _, _ =	vpop (xrf2)  }
0x178: {  	p1 =	por $0x1, $0x1;
	[tilespmem:s31+$0x0] =	vst v55;
	v63, _, _ =	vpop (xrf2)  }
.Ltmp3:
0x179: {  	[tilespmem:s5+$0x0] =	vst v6;
	v6 =	vsub.f32 v63, v58;
	(pc) =	sbr.rel @!p1 .LBB2_8-.Ltmp3, $4  }
0x17a: {  	[tilespmem:s26+$0xFFFFFFF0] =	vst v63  }
0x17b: {  	v5 =	vsub.f32 v7, v5;
	[tilespmem:s24+$0xFFFFFFF0] =	vst v6  }
0x17c: {  	s10 =	simm.s32 $0xF;
	p0 =	por $0x0, $0x0;
	s1 =	simm.s32 $0xB080;
	[tilespmem:s31+$0xFFFFFFF0] =	vst v7  }
0x17d: {  	s0 =	simm.s32 $0xB180;
	s2 =	simm.f32 $0.0e+00;
	[tilespmem:s5+$0xFFFFFFF0] =	vst v5;
	v5 =	vor.u32 s10, v4;
	s5 =	simm.s32 $0x10F  }
0x17e: {  	_ =	sdelay $0x3  }
0x17f: {  	v6 =	vld.idx.msk [tilespmem:v5+s16+$0x0], $0xffff  }
0x180: {  	v7 =	vld.idx.msk [tilespmem:v5+s17+$0x0], $0xffff;
	_ =	sdelay $0x3  }
0x181: {  	(xrf2) =	vadd.scan.msk.f32 $0xffff, v6  }
0x182: {  	(xrf2) =	vadd.scan.msk.f32 $0xffff, v7;
	_ =	sdelay $0x8  }
0x183: {  	v5, _, _ =	vpop (xrf2)  }
0x184: {  	p1 =	por $0x1, $0x1;
	v5 =	vadd.f32 s2, v5;
	v8, _, _ =	vpop (xrf2)  }
.Ltmp4:
0x185: {  	v8 =	vadd.f32 s2, v8;
	(pc) =	sbr.rel @!p1 .LBB2_10-.Ltmp4, $3  }
0x186: {  	v9 =	vsub.f32 v5, v6;
	(v2sf) =	vpush v5, $0xF;
	v5 =	vor.u32 s5, v4;
	_ =	sdelay $0x1  }
0x187: {  	s11 =	simm.s32 $0x20F;
	v6 =	vsub.f32 v8, v7;
	(v2sf) =	vpush v8, $0xF  }
0x188: {  	p0 =	por $0x1, $0x1;
	s10 =	simm.s32 $0xB080;
	s5 =	simm.s32 $0xB180;
	[tilespmem:s1+$0x0] =	vst v9  }
.LBB2_11:
0x189: {  	p1 =	sne.s32 s11, $0xF0F;
	[tilespmem:s5+$0x0] =	vst v6  }
0x18a: {  	v6 =	vld.idx.msk [tilespmem:v5+s16+$0x0], $0xffff;
	_ =	sdelay $0x2  }
0x18b: {  	v7 =	vld.idx.msk [tilespmem:v5+s17+$0x0], $0xffff;
	_ =	sdelay $0x2  }
0x18c: {  	(xrf2) =	vadd.scan.msk.f32 $0xffff, v6;
	_ =	sdelay $0x2  }
0x18d: {  	(xrf2) =	vadd.scan.msk.f32 $0xffff, v7;
	_ =	sdelay $0x1  }
0x18e: {  	s15 =	spop (v2sf)  }
0x18f: {  	s24 =	spop (v2sf);
	_ =	sdelay $0x3  }
0x190: {  	v5, _, _ =	vpop (xrf2);
	_ =	sdelay $0x2  }
.Ltmp5:
0x191: {  	v8 =	vadd.f32 s15, v5;
	v9, _, _ =	vpop (xrf2);
	(pc) =	sbr.rel @p1 .LBB2_11-.Ltmp5, $4  }
0x192: {  	v5 =	vor.u32 s11, v4;
	v9 =	vadd.f32 s24, v9  }
0x193: {  	v10 =	vsub.f32 v8, v6;
	(v2sf) =	vpush v8, $0xF  }
0x194: {  	s10 =	sadd.s32 $0x10, s10;
	v6 =	vsub.f32 v9, v7;
	(v2sf) =	vpush v9, $0xF  }
0x195: {  	s5 =	sadd.s32 $0x10, s5;
	s11 =	sadd.s32 $0x100, s11;
	[tilespmem:s10+$0x0] =	vst v10  }
.LBB2_12:
0x196: {  	_ =	sdelay $0x2  }
0x197: {  	[tilespmem:s5+$0x0] =	vst @p0 v6  }
0x198: {  	v6 =	vld.idx.msk [tilespmem:v5+s16+$0x0], $0xffff  }
0x199: {  	v5 =	vld.idx.msk [tilespmem:v5+s17+$0x0], $0xffff;
	_ =	sdelay $0x3  }
0x19a: {  	(xrf2) =	vadd.scan.msk.f32 $0xffff, v6  }
0x19b: {  	(xrf2) =	vadd.scan.msk.f32 $0xffff, v5;
	_ =	sdelay $0x7  }
0x19c: {  	s15 =	simm.f32 $0.0e+00;
	s11 =	spop @p0 (v2sf)  }
0x19d: {  	s26 =	simm.s32 $0x0;
	s24 =	spop @p0 (v2sf);
	s15 =	smov.u32 @p0 s11;
	v7, _, _ =	vpop (xrf2)  }
0x19e: {  	s25 =	simm.s32 $0x3;
	v9 =	vmov s26;
	s2 =	smov.u32 @p0 s24;
	v7 =	vadd.f32 s15, v7;
	v8, _, _ =	vpop (xrf2)  }
0x19f: {  	v10 =	vmov s25;
	v9 =	vand.u32 $0xFFFFFFFC, v9;
	v8 =	vadd.f32 s2, v8  }
0x1a0: {  	s10 =	sadd.s32 @p0 $0x10, s10;
	v9 =	vbroadcast v9, $0x0;
	v6 =	vsub.f32 v7, v6  }
0x1a1: {  	s26 =	simm.s32 $0x1;
	s1 =	smov.u32 @p0 s10;
	s2 =	sadd.s32 @p0 $0x10, s5;
	v5 =	vsub.f32 v8, v5  }
0x1a2: {  	v11 =	vmov s26;
	s0 =	smov.u32 @p0 s2;
	[tilespmem:s1+$0x0] =	vst v6  }
0x1a3: {  	s10 =	simm.s32 $0x2;
	v11 =	vand.u32 $0xFFFFFFFD, v11;
	[tilespmem:s0+$0x0] =	vst v5  }
0x1a4: {  	v14 =	vmov s10;
	v6 =	vbroadcast v11, $0x0;
	v11 =	vld.idx.msk [tilespmem:v10+s18+$0x0], $0xffff  }
0x1a5: {  	v14 =	vand.u32 $0xFFFFFFFE, v14;
	v10 =	vld.idx.msk [tilespmem:v10+s19+$0x0], $0xffff  }
0x1a6: {  	v14 =	vbroadcast v14, $0x0;
	v5 =	vld.idx.msk [tilespmem:v9+s18+$0x0], $0xffff  }
0x1a7: {  	s24 =	simm.s32 $0x70A0;
	v9 =	vld.idx.msk [tilespmem:v9+s19+$0x0], $0xffff  }
0x1a8: {  	s25 =	simm.s32 $0x80A0;
	v16 =	vld [tilespmem:s24+$0x0]  }
0x1a9: {  	s26 =	simm.s32 $0x90A0;
	v17 =	vld [tilespmem:s25+$0x0]  }
0x1aa: {  	s28 =	simm.s32 $0x20;
	v18 =	vld [tilespmem:s26+$0x0]  }
0x1ab: {  	v19 =	vld [tilespmem:s28+$0x10]  }
0x1ac: {  	v20 =	vld.idx.msk [tilespmem:v14+s18+$0x0], $0xffff  }
0x1ad: {  	s29 =	simm.s32 $0xA0A0;
	v14 =	vld.idx.msk [tilespmem:v14+s19+$0x0], $0xffff  }
0x1ae: {  	v21 =	vld [tilespmem:s29+$0x0]  }
0x1af: {  	v22 =	vld [tilespmem:s24+$0xFFFFFFE0]  }
0x1b0: {  	v23 =	vld [tilespmem:s25+$0xFFFFFFE0]  }
0x1b1: {  	v24 =	vld [tilespmem:s26+$0xFFFFFFE0]  }
0x1b2: {  	s5 =	simm.s32 $0x2F;
	v25 =	vld [tilespmem:s29+$0xFFFFFFE0]  }
0x1b3: {  	v13 =	vadd.s32 s5, v1;
	v26 =	vld [tilespmem:s24+$0xFFFFFFF0]  }
0x1b4: {  	v27 =	vld [tilespmem:s25+$0xFFFFFFF0]  }
0x1b5: {  	s11 =	simm.s32 $0x31;
	v12 =	vld.idx.msk [tilespmem:v6+s18+$0x0], $0xffff  }
0x1b6: {  	v15 =	vld.idx.msk [tilespmem:v6+s19+$0x0], $0xffff;
	v6 =	vadd.s32 s11, v1  }
0x1b7: {  	v33 =	vld [tilespmem:s25+$0x10]  }
0x1b8: {  	v13 =	vld.idx.msk [tilespmem:v13+s3+$0x0], $0xffff  }
0x1b9: {  	s15 =	simm.s32 $0xF;
	s2 =	simm.s32 $0x1F;
	(v2sf) =	vpush v7, $0xF;
	v34 =	vld [tilespmem:s26+$0x10]  }
0x1ba: {  	v29 =	vadd.s32 s15, v1;
	s5 =	simm.s32 $0x21;
	v7 =	vadd.s32 s2, v1;
	(v2sf) =	vpush v8, $0xF;
	v32 =	vld [tilespmem:s24+$0x10]  }
0x1bb: {  	v8 =	vadd.s32 s5, v1;
	s1 =	simm.s32 $0x11;
	v22 =	vadd.f32 v22, v5;
	v60 =	vadd.f32 v23, v5;
	v6 =	vld.idx.msk [tilespmem:v6+s3+$0x0], $0xffff  }
0x1bc: {  	v31 =	vadd.s32 s1, v1;
	v28 =	vld [tilespmem:s26+$0xFFFFFFF0];
	v24 =	vadd.f32 v24, v9;
	v9 =	vadd.f32 v25, v9  }
0x1bd: {  	s10 =	simm.s32 $0x3F;
	vm0 =	vne.s32 v19, v13;
	v13 =	vadd.f32 v16, v20;
	v16 =	vadd.f32 v17, v20;
	v17 =	vld [tilespmem:s29+$0x10]  }
0x1be: {  	v30 =	vld [tilespmem:s29+$0xFFFFFFF0];
	v61 =	vadd.f32 v33, v11;
	v62 =	vadd.f32 v34, v10;
	v20 =	vadd.s32 s10, v1  }
0x1bf: {  	s15 =	simm.s32 $0x4;
	v59 =	vld.idx.msk [tilespmem:v7+s3+$0x0], $0xffff;
	v16 =	vnsel vm0, $0x0, v16;
	v25 =	vadd.f32 v26, v12;
	v12 =	vadd.f32 v27, v12  }
0x1c0: {  	v8 =	vld.idx.msk [tilespmem:v8+s3+$0x0], $0xffff;
	v27 =	vadd.f32 v32, v11;
	v11 =	vmov s15;
	vm1 =	vne.s32 v19, v6  }
0x1c1: {  	v7 =	vld [tilespmem:s28+$0xFFFFFFF0];
	v6 =	vadd.f32 v18, v14;
	v14 =	vadd.f32 v21, v14;
	v13 =	vnsel vm1, $0x0, v13  }
0x1c2: {  	s11 =	simm.s32 $0x41;
	v17 =	vadd.f32 v17, v10;
	v10 =	vand.u32 $0xFFFFFFFC, v11;
	v21 =	vld.idx.msk [tilespmem:v31+s3+$0x0], $0xffff;
	v13 =	vsub.f32 v13, v16  }
0x1c3: {  	s1 =	simm.s32 $0x5;
	v18 =	vld.idx.msk [tilespmem:v29+s3+$0x0], $0xffff;
	v16 =	vadd.s32 s11, v1;
	v5 =	vnsel vm1, $0x0, v6;
	v6 =	vnsel vm0, $0x0, v14  }
0x1c4: {  	v11 =	vmov s1;
	vm6 =	vmor vm0, vm1;
	v14 =	vsub.f32 v5, v6;
	v6 =	vld [tilespmem:s28+$0x0]  }
0x1c5: {  	v20 =	vld.idx.msk [tilespmem:v20+s3+$0x0], $0xffff;
	v63 =	vbroadcast v10, $0x0;
	v10 =	vand.u32 $0xFFFFFFFD, v11  }
0x1c6: {  	v23 =	vbroadcast v10, $0x0;
	v5 =	vld [tilespmem:s28+$0x20]  }
0x1c7: {  	v26 =	vadd.f32 v28, v15;
	vm5 =	vne.s32 v7, v21  }
0x1c8: {  	s2 =	simm.s32 $0x7;
	v15 =	vadd.f32 v30, v15;
	vm4 =	vne.s32 v7, v18;
	v24 =	vnsel vm5, $0x0, v24;
	v16 =	vld.idx.msk [tilespmem:v16+s3+$0x0], $0xffff  }
0x1c9: {  	s11 =	simm.s32 $0x6F;
	v9 =	vnsel vm4, $0x0, v9;
	vm3 =	vne.s32 v6, v8;
	v8 =	vmov s2  }
0x1ca: {  	v18 =	vnsel vm5, $0x0, v22;
	[tilespmem:v19+s20+$0x0] =	vst.idx.add.f32.msk vm6, v13;
	v9 =	vsub.f32 v24, v9;
	v24 =	vadd.s32 s11, v1  }
0x1cb: {  	vm1 =	vne.s32 v6, v59;
	vm0 =	vne.s32 v5, v20;
	[tilespmem:v19+s21+$0x0] =	vst.idx.add.f32.msk vm6, v14;
	v10 =	vnsel vm3, $0x0, v25  }
0x1cc: {  	v13 =	vnsel vm1, $0x0, v12;
	v14 =	vnsel vm3, $0x0, v26;
	v22 =	vnsel vm0, $0x0, v17;
	v17 =	vld.idx.msk [tilespmem:v23+s18+$0x0], $0xffff  }
0x1cd: {  	v25 =	vnsel vm4, $0x0, v60;
	vm2 =	vne.s32 v5, v16;
	v16 =	vnsel vm1, $0x0, v15;
	v15 =	vld.idx.msk [tilespmem:v63+s18+$0x0], $0xffff  }
0x1ce: {  	s0 =	simm.s32 $0x4F;
	s15 =	simm.s32 $0x6;
	v21 =	vnsel vm0, $0x0, v61;
	v10 =	vsub.f32 v10, v13;
	v13 =	vsub.f32 v18, v25;
	v11 =	vld.idx.msk [tilespmem:v8+s18+$0x0], $0xffff  }
0x1cf: {  	s30 =	simm.s32 $0x81;
	s31 =	simm.s32 $0x8;
	s5 =	spop (v2sf);
	v18 =	vadd.s32 s0, v1;
	v25 =	vmov s15;
	v12 =	vld.idx.msk [tilespmem:v8+s19+$0x0], $0xffff;
	v20 =	vnsel vm2, $0x0, v27  }
0x1d0: {  	s1 =	simm.s32 $0x71;
	s10 =	spop (v2sf);
	s0 =	simm.s32 $0x51;
	v19 =	vnsel vm2, $0x0, v62;
	v8 =	vsub.f32 v14, v16;
	v16 =	vld.idx.msk [tilespmem:v63+s19+$0x0], $0xffff;
	v14 =	vadd.s32 s30, v1  }
.LBB2_13:
0x1d1: {  	p0 =	slt.u32 s31, $0xFC;
	v26 =	vadd.s32 s0, v1;
	s0 =	sadd.s32 $0xFFFFFFDE, s30;
	v23 =	vld.idx.msk [tilespmem:v23+s19+$0x0], $0xffff;
	v27 =	vadd.s32 s1, v1;
	v25 =	vand.u32 $0xFFFFFFFE, v25;
	s24 =	sadd.s32 $0x40, s24  }
0x1d2: {  	s1 =	sadd.s32 $0xFFFFFFFE, s30;
	v20 =	vsub.f32 v20, v21;
	s25 =	sadd.s32 $0x40, s25;
	v28 =	vadd.s32 s0, v1;
	s0 =	sadd.s32 $0xFFFFFFE0, s30;
	v25 =	vbroadcast v25, $0x0;
	v29 =	vld [tilespmem:s24+$0x0]  }
0x1d3: {  	v19 =	vsub.f32 v19, v22;
	s26 =	sadd.s32 $0x40, s26;
	v31 =	vadd.s32 s1, v1;
	v21 =	vadd.s32 s0, v1;
	v30 =	vld [tilespmem:s25+$0x0]  }
0x1d4: {  	vm4 =	vmor vm4, vm5;
	vm1 =	vmor vm1, vm3;
	vm6 =	vmor vm0, vm2;
	v22 =	vld [tilespmem:s26+$0x0]  }
0x1d5: {  	v24 =	vld.idx.msk [tilespmem:v24+s3+$0x0], $0xffff  }
0x1d6: {  	s28 =	sadd.s32 $0x40, s28;
	v27 =	vld.idx.msk [tilespmem:v27+s3+$0x0], $0xffff  }
0x1d7: {  	v32 =	vld [tilespmem:s28+$0x10]  }
0x1d8: {  	v33 =	vld.idx.msk [tilespmem:v25+s18+$0x0], $0xffff  }
0x1d9: {  	s29 =	sadd.s32 $0x40, s29;
	v25 =	vld.idx.msk [tilespmem:v25+s19+$0x0], $0xffff  }
0x1da: {  	v34 =	vld [tilespmem:s29+$0x0]  }
0x1db: {  	v35 =	vld [tilespmem:s24+$0xFFFFFFE0]  }
0x1dc: {  	v36 =	vld [tilespmem:s25+$0xFFFFFFE0];
	vm0 =	vne.s32 v32, v24;
	vm2 =	vne.s32 v32, v27  }
0x1dd: {  	v24 =	vld [tilespmem:s26+$0xFFFFFFE0];
	vm3 =	vmor vm0, vm2  }
0x1de: {  	v29 =	vadd.f32 v29, v33;
	v30 =	vadd.f32 v30, v33;
	v27 =	vld [tilespmem:s29+$0xFFFFFFE0]  }
0x1df: {  	v22 =	vadd.f32 v22, v25;
	v33 =	vld [tilespmem:s24+$0xFFFFFFF0];
	v25 =	vadd.f32 v34, v25  }
0x1e0: {  	v29 =	vnsel vm2, $0x0, v29;
	v30 =	vnsel vm0, $0x0, v30;
	v34 =	vadd.f32 v35, v15;
	v35 =	vld [tilespmem:s25+$0xFFFFFFF0]  }
0x1e1: {  	v29 =	vsub.f32 v29, v30;
	v22 =	vnsel vm2, $0x0, v22;
	v37 =	vld [tilespmem:s26+$0xFFFFFFF0];
	v25 =	vnsel vm0, $0x0, v25  }
0x1e2: {  	v15 =	vadd.f32 v36, v15;
	v30 =	vld [tilespmem:s29+$0xFFFFFFF0];
	v22 =	vsub.f32 v22, v25  }
0x1e3: {  	v24 =	vadd.f32 v24, v16;
	v16 =	vadd.f32 v27, v16;
	[tilespmem:v32+s20+$0x0] =	vst.idx.add.f32.msk vm3, v29  }
0x1e4: {  	v25 =	vadd.f32 v33, v17;
	[tilespmem:v32+s21+$0x0] =	vst.idx.add.f32.msk vm3, v22  }
0x1e5: {  	v17 =	vadd.f32 v35, v17;
	v22 =	vld [tilespmem:s24+$0x10]  }
0x1e6: {  	v27 =	vadd.f32 v37, v23;
	v29 =	vld [tilespmem:s25+$0x10]  }
0x1e7: {  	v30 =	vadd.f32 v30, v23;
	v23 =	vld [tilespmem:s26+$0x10]  }
0x1e8: {  	v32 =	vld [tilespmem:s29+$0x10]  }
0x1e9: {  	v18 =	vld.idx.msk [tilespmem:v18+s3+$0x0], $0xffff  }
0x1ea: {  	v26 =	vld.idx.msk [tilespmem:v26+s3+$0x0], $0xffff;
	v22 =	vadd.f32 v22, v11  }
0x1eb: {  	v28 =	vld.idx.msk [tilespmem:v28+s3+$0x0], $0xffff;
	v29 =	vadd.f32 v29, v11  }
0x1ec: {  	v11 =	vld.idx.msk [tilespmem:v21+s3+$0x0], $0xffff;
	v33 =	vadd.f32 v23, v12  }
0x1ed: {  	v21 =	vld.idx.msk [tilespmem:v31+s3+$0x0], $0xffff;
	v31 =	vadd.f32 v32, v12  }
0x1ee: {  	v12 =	vld.idx.msk [tilespmem:v14+s3+$0x0], $0xffff  }
0x1ef: {  	v14 =	vld [tilespmem:s28+$0x0]  }
0x1f0: {  	v32 =	vld [tilespmem:s28+$0x20]  }
0x1f1: {  	s0 =	sadd.s32 $0x1, s31;
	v23 =	vmov s31;
	v35 =	vld [tilespmem:s28+$0xFFFFFFF0]  }
0x1f2: {  	v36 =	vmov s0;
	s0 =	sadd.s32 $0x3, s31;
	v23 =	vand.u32 $0xFFFFFFFC, v23;
	[tilespmem:v6+s20+$0x0] =	vst.idx.add.f32.msk vm1, v10  }
0x1f3: {  	v37 =	vbroadcast v23, $0x0;
	v10 =	vand.u32 $0xFFFFFFFD, v36;
	v36 =	vmov s0;
	[tilespmem:v6+s21+$0x0] =	vst.idx.add.f32.msk vm1, v8  }
0x1f4: {  	v23 =	vbroadcast v10, $0x0;
	vm1 =	vne.s32 v14, v28;
	vm3 =	vne.s32 v14, v11;
	[tilespmem:v7+s20+$0x0] =	vst.idx.add.f32.msk vm4, v13  }
0x1f5: {  	v8 =	vnsel vm3, $0x0, v25;
	vm0 =	vne.s32 v32, v21;
	vm2 =	vne.s32 v32, v12;
	[tilespmem:v7+s21+$0x0] =	vst.idx.add.f32.msk vm4, v9  }
0x1f6: {  	v9 =	vnsel vm1, $0x0, v17;
	vm4 =	vne.s32 v35, v18;
	vm5 =	vne.s32 v35, v26;
	[tilespmem:v5+s20+$0x0] =	vst.idx.add.f32.msk vm6, v20  }
0x1f7: {  	v6 =	vmovc v14;
	v17 =	vnsel vm3, $0x0, v27;
	v18 =	vnsel vm1, $0x0, v30;
	v13 =	vnsel vm5, $0x0, v34;
	[tilespmem:v5+s21+$0x0] =	vst.idx.add.f32.msk vm6, v19;
	v5 =	vmovc v32  }
.Ltmp6:
0x1f8: {  	v7 =	vmovc v35;
	v25 =	vnsel vm4, $0x0, v15;
	v24 =	vnsel vm5, $0x0, v24;
	v26 =	vnsel vm4, $0x0, v16;
	v11 =	vld.idx.msk [tilespmem:v36+s18+$0x0], $0xffff;
	(pc) =	sbr.rel @p0 .LBB2_13-.Ltmp6, $4  }
0x1f9: {  	v20 =	vnsel vm2, $0x0, v22;
	v21 =	vnsel vm0, $0x0, v29;
	v19 =	vnsel vm2, $0x0, v33;
	v12 =	vld.idx.msk [tilespmem:v36+s19+$0x0], $0xffff  }
0x1fa: {  	s30 =	sadd.s32 $0x40, s30;
	v10 =	vsub.f32 v8, v9;
	v22 =	vnsel vm0, $0x0, v31;
	v8 =	vsub.f32 v17, v18;
	v15 =	vld.idx.msk [tilespmem:v37+s18+$0x0], $0xffff  }
0x1fb: {  	s2 =	sadd.s32 $0x2, s31;
	s1 =	sadd.s32 $0xFFFFFFEE, s30;
	s0 =	sadd.s32 $0xFFFFFFCE, s30;
	v14 =	vadd.s32 s30, v1;
	v13 =	vsub.f32 v13, v25;
	v9 =	vsub.f32 v24, v26;
	v16 =	vld.idx.msk [tilespmem:v37+s19+$0x0], $0xffff  }
0x1fc: {  	s31 =	sadd.s32 $0x4, s31;
	v18 =	vadd.s32 s0, v1;
	s0 =	sadd.s32 $0xFFFFFFD0, s30;
	v24 =	vadd.s32 s1, v1;
	s1 =	sadd.s32 $0xFFFFFFF0, s30;
	v25 =	vmov s2;
	v17 =	vld.idx.msk [tilespmem:v23+s18+$0x0], $0xffff  }
0x1fd: {  	_ =	sdelay $0x3  }
0x1fe: {  	v23 =	vld.idx.msk [tilespmem:v23+s19+$0x0], $0xffff  }
0x1ff: {  	v24 =	vld.idx.msk [tilespmem:v24+s3+$0x0], $0xffff  }
0x200: {  	v18 =	vld.idx.msk [tilespmem:v18+s3+$0x0], $0xffff  }
0x201: {  	s24 =	sadd.s32 $0x40, s24;
	v14 =	vld.idx.msk [tilespmem:v14+s3+$0x0], $0xffff  }
0x202: {  	s2 =	sadd.s32 $0x40, s25;
	v27 =	vld [tilespmem:s24+$0x0]  }
0x203: {  	s5 =	sadd.s32 $0x40, s26;
	v28 =	vld [tilespmem:s2+$0x0]  }
0x204: {  	s10 =	sadd.s32 $0x40, s28;
	v29 =	vld [tilespmem:s5+$0x0]  }
0x205: {  	s11 =	sadd.s32 $0x40, s29;
	v30 =	vld [tilespmem:s10+$0x10]  }
0x206: {  	v32 =	vld [tilespmem:s11+$0x0]  }
0x207: {  	v33 =	vld [tilespmem:s24+$0xFFFFFFE0]  }
0x208: {  	v34 =	vld [tilespmem:s2+$0xFFFFFFE0]  }
0x209: {  	v55 =	vld [tilespmem:s5+$0xFFFFFFE0]  }
0x20a: {  	v26 =	vadd.s32 s1, v1;
	v25 =	vand.u32 $0xFFFFFFFE, v25;
	v56 =	vld [tilespmem:s11+$0xFFFFFFE0]  }
0x20b: {  	v25 =	vbroadcast v25, $0x0;
	v57 =	vld [tilespmem:s24+$0xFFFFFFF0]  }
0x20c: {  	v58 =	vld [tilespmem:s2+$0xFFFFFFF0]  }
0x20d: {  	v35 =	vld [tilespmem:s5+$0xFFFFFFF0]  }
0x20e: {  	v60 =	vld [tilespmem:s11+$0xFFFFFFF0]  }
0x20f: {  	v26 =	vld.idx.msk [tilespmem:v26+s3+$0x0], $0xffff  }
0x210: {  	v62 =	vld [tilespmem:s24+$0x10]  }
0x211: {  	v31 =	vld.idx.msk [tilespmem:v25+s18+$0x0], $0xffff  }
0x212: {  	v25 =	vld.idx.msk [tilespmem:v25+s19+$0x0], $0xffff  }
0x213: {  	s29 =	sadd.s32 $0xFFFFFFE0, s30;
	v42 =	vld [tilespmem:s2+$0x10]  }
0x214: {  	s28 =	sadd.s32 $0xFFFFFFDE, s30;
	v36 =	vadd.s32 s29, v1;
	v37 =	vld [tilespmem:s5+$0x10];
	vm6 =	vne.s32 v30, v24;
	vm7 =	vne.s32 v30, v26  }
0x215: {  	v20 =	vsub.f32 v20, v21;
	v63 =	vadd.s32 s28, v1;
	v38 =	vld [tilespmem:s11+$0x10];
	vm8 =	vmor vm6, vm7  }
0x216: {  	v61 =	vadd.s32 s0, v1;
	v45 =	vld [tilespmem:s10+$0x0];
	v27 =	vadd.f32 v27, v31;
	v28 =	vadd.f32 v28, v31  }
0x217: {  	s31 =	sadd.s32 $0xFFFFFFFE, s30;
	vm1 =	vmor vm1, vm3;
	v50 =	vld [tilespmem:s10+$0xFFFFFFF0];
	v29 =	vadd.f32 v29, v25;
	v25 =	vadd.f32 v32, v25  }
0x218: {  	v39 =	vadd.s32 s31, v1;
	v53 =	vld [tilespmem:s10+$0x20];
	v27 =	vnsel vm7, $0x0, v27;
	v28 =	vnsel vm6, $0x0, v28  }
0x219: {  	v43 =	vld.idx.msk [tilespmem:v36+s3+$0x0], $0xffff;
	v59 =	vnsel vm7, $0x0, v29;
	v25 =	vnsel vm6, $0x0, v25;
	v27 =	vsub.f32 v27, v28  }
0x21a: {  	v19 =	vsub.f32 v19, v22;
	vm14 =	vmor vm4, vm5;
	v25 =	vsub.f32 v59, v25;
	v28 =	vld.idx.msk [tilespmem:v63+s3+$0x0], $0xffff  }
0x21b: {  	v44 =	vadd.f32 v33, v15;
	v46 =	vadd.f32 v34, v15;
	[tilespmem:v30+s20+$0x0] =	vst.idx.add.f32.msk vm8, v27  }
0x21c: {  	v24 =	vadd.f32 v55, v16;
	v48 =	vadd.f32 v56, v16;
	[tilespmem:v30+s21+$0x0] =	vst.idx.add.f32.msk vm8, v25  }
0x21d: {  	v49 =	vadd.f32 v57, v17;
	v51 =	vadd.f32 v58, v17;
	v25 =	vld.idx.msk [tilespmem:v61+s3+$0x0], $0xffff  }
0x21e: {  	v47 =	vld.idx.msk [tilespmem:v39+s3+$0x0], $0xffff;
	v52 =	vadd.f32 v35, v23;
	v23 =	vadd.f32 v60, v23  }
0x21f: {  	vm0 =	vmor vm0, vm2;
	v54 =	vadd.f32 v42, v11;
	v55 =	vadd.f32 v37, v12;
	[tilespmem:v6+s20+$0x0] =	vst.idx.add.f32.msk vm1, v10  }
0x220: {  	[tilespmem:v7+s20+$0x0] =	vst.idx.add.f32.msk vm14, v13;
	vm15 =	vne.s32 v45, v43;
	vm2 =	vne.s32 v45, v28  }
0x221: {  	v56 =	vadd.f32 v38, v12;
	[tilespmem:v6+s21+$0x0] =	vst.idx.add.f32.msk vm1, v8;
	vm1 =	vne.s32 v50, v18;
	vm5 =	vmor vm2, vm15  }
0x222: {  	[tilespmem:v7+s21+$0x0] =	vst.idx.add.f32.msk vm14, v9;
	vm14 =	vne.s32 v53, v14;
	vm6 =	vne.s32 v50, v25  }
0x223: {  	vm12 =	vne.s32 v53, v47;
	v6 =	vnsel vm15, $0x0, v49;
	vm13 =	vmor vm1, vm6  }
0x224: {  	v7 =	vnsel vm15, $0x0, v52;
	v57 =	vnsel vm2, $0x0, v51;
	vm15 =	vmor vm12, vm14  }
0x225: {  	[tilespmem:v5+s20+$0x0] =	vst.idx.add.f32.msk vm0, v20;
	v27 =	vadd.f32 v62, v11;
	v58 =	vnsel vm2, $0x0, v23;
	v6 =	vsub.f32 v6, v57  }
0x226: {  	[tilespmem:v5+s21+$0x0] =	vst.idx.add.f32.msk vm0, v19;
	v59 =	vnsel vm1, $0x0, v46;
	v7 =	vsub.f32 v7, v58;
	v5 =	vnsel vm6, $0x0, v44  }
0x227: {  	v62 =	vnsel vm12, $0x0, v54;
	v5 =	vsub.f32 v5, v59;
	[tilespmem:v45+s20+$0x0] =	vst.idx.add.f32.msk vm5, v6;
	v6 =	vnsel vm14, $0x0, v27  }
0x228: {  	v61 =	vnsel vm1, $0x0, v48;
	v60 =	vnsel vm6, $0x0, v24;
	[tilespmem:v45+s21+$0x0] =	vst.idx.add.f32.msk vm5, v7;
	v6 =	vsub.f32 v6, v62  }
0x229: {  	v63 =	vnsel vm12, $0x0, v56;
	v9 =	vsub.f32 v60, v61;
	v7 =	vnsel vm14, $0x0, v55;
	[tilespmem:v50+s20+$0x0] =	vst.idx.add.f32.msk vm13, v5  }
0x22a: {  	v5 =	vsub.f32 v7, v63;
	[tilespmem:v53+s20+$0x0] =	vst.idx.add.f32.msk vm15, v6  }
0x22b: {  	[tilespmem:v50+s21+$0x0] =	vst.idx.add.f32.msk vm13, v9  }
0x22c: {  	[tilespmem:v53+s21+$0x0] =	vst.idx.add.f32.msk vm15, v5  }
0x22d: {  	[hbm4b:s7+s3] =	stream.linear.scatter [tilespmem:s20], [sflag:$0x2], $0x1000, $0x38;
	[tilespmem:$0xB280] =	vst v63  }
0x22e: {  	_ =	swait.ge [sflag:s22], $0x1000  }
0x22f: {  	s23 =	sadd.s32 $0x1, s23;
	[sflag:s22] =	ssyncset.done $0x0  }
0x230: {  	p0 =	sne.s32 s23, s9;
	[sflag:s22] =	ssyncadd.s32 $0xFFFFF000  }
0x231: {  	[hbm4b:s8+s3] =	stream.linear.scatter [tilespmem:s21], [sflag:$0x2], $0x1000, $0x38;
	[tilespmem:$0xB280] =	vst v63  }
.Ltmp7:
0x232: {  	_ = 	snop;
	(pc) =	sbr.rel @p0 .LBB2_1-.Ltmp7, $4  }
.Ltmp8:
0x233: {  	_ = 	snop;
	(pc) =	sbr.rel @!p0 .LBB2_15-.Ltmp8, $4  }
0x234: {  	_ =	swait.ge [sflag:s22], $0x1000  }
0x235: {  	[sflag:s22] =	ssyncset.done $0x0  }
0x236: {  	[sflag:s22] =	ssyncadd.s32 $0xFFFFF000  }
0x237: {  	_ = 	snop  }
.LBB2_8:
.Ltmp9:
0x238: {  	(pc) =	sbr.rel .LBB2_12-.Ltmp9, $2  }
0x239: {  	_ =	sdelay $0x2  }
0x23a: {  	s5 =	simm.s32 $0xB180;
	s10 =	simm.s32 $0xB080  }
.LBB2_10:
.Ltmp10:
0x23b: {  	(pc) =	sbr.rel .LBB2_12-.Ltmp10, $2  }
0x23c: {  	_ =	sdelay $0x2  }
0x23d: {  	s5 =	simm.s32 $0xB180;
	s10 =	simm.s32 $0xB080  }
.LBB2_15:
0x23e: {  	_ =	sfence.sel $0x180000  }
0x23f: {  	[bflag:$0x0] =	sbarrier.arrive $0xFFFF  }
0x240: {  	_ =	strace $0x90000047  }
0x241: {  	s0 =	stileid.u32;
	[bflag:$0x2] =	sbarrier.arrive $0xFFFF  }
0x242: {  	p0 =	sne.s32 s0, $0x0;
	s0 =	rddreg [dreg:$0x4]  }
0x243: {  	s0 =	sadd.s32 @!p0 $0x100000, s0  }
0x244: {  	[sflag:s0] =	ssyncadd.tile.s32 @!p0 $0x1;
	_ =	shalt  }
.Lfunc_end2:
_tile_overlayer_lowered:
.L_overlay_start_2:
0x245: {  	(tag) =	ssettag $0x2  }
0x246: {  	s0 =	rddreg [dreg:$0x0];
	s2 =	stileid.u32  }
0x247: {  	s1 =	rddreg [dreg:$0x1];
	p0 =	sne.s32 s2, $0x0  }
0x248: {  	s3 =	rddreg [dreg:$0x2];
	[bflag:$0x3] =	sbarrier.arrive $0xFFFF;
	s2 =	simm.s32 @!p0 $0x1C02  }
0x249: {  	[timem:s3], [sflag:s2] =	dma.local @!p0 [hbm:s0], s1  }
0x24a: {  	s0 =	simm.s32 @!p0 $0x2  }
0x24b: {  	_ =	swait.ge @!p0 [sflag:s0], s1  }
0x24c: {  	s1 =	ssub.s32 @!p0 $0x0, s1;
	[sflag:s0] =	ssyncset.done @!p0 $0x0  }
0x24d: {  	[sflag:s0] =	ssyncadd.s32 @!p0 s1  }
0x24e: {  	[bflag:$0x3] =	sbarrier.arrive $0xFFFF  }
0x24f: {  	_ =	shalt  }

</sc_bundles>
